<compile_context>
chip_gen: v7x
topology: tpu7x:2x2x1
jax: 0.10.2.dev20260603
libtpu: 0.0.44.dev20260713+nightly
codegen_flags: <defaults>
</compile_context>

<pallas_src>
import functools

import jax
import jax.numpy as jnp
from jax import lax
from jax.experimental import pallas as pl
from jax.experimental.pallas import tpu as pltpu
from jax.experimental.pallas import tpu_sc as plsc

NC = 2
NS = 16
NW = NC * NS
B = 128
NBUF = 8
GAHEAD = 4


@functools.cache
def _build(N, E, D, H, C):
    assert H == 16, "row width must match the 64B DMA granule"
    Hp = 16
    NP = -(-(N + 16) // 256) * 256
    CHUNK = NP // NS
    S = -(-E // (NW * B))
    S = max(S + (S % 2), NBUF)
    EP = S * NW * B

    mesh = plsc.VectorSubcoreMesh(core_axis_name="c", subcore_axis_name="s")
    sc_params = pltpu.CompilerParams(use_tc_tiling_on_sc=False)

    @functools.partial(
        pl.kernel,
        out_type=jax.ShapeDtypeStruct((NC, NP), jnp.float32),
        mesh=mesh,
        compiler_params=sc_params,
        scratch_types=[
            pltpu.VMEM((S, B), jnp.int32),
            pltpu.VMEM((B,), jnp.float32),
            pltpu.VMEM((CHUNK,), jnp.float32),
            pltpu.VMEM_SHARED((NP,), jnp.float32),
            pltpu.SemaphoreType.DMA((NBUF,)),
        ],
    )
    def launch_h(dst_hbm, deg_out, dst_v, ones_v, z_v, deg_sh, ssem):
        cid = lax.axis_index("c")
        sid = lax.axis_index("s")
        lo = sid * CHUNK
        pltpu.sync_copy(dst_hbm.at[2 * sid + cid], dst_v)
        for i in range(B // 16):
            ones_v[pl.ds(i * 16, 16)] = jnp.ones((16,), jnp.float32)

        def zbody(i, carry):
            z_v[pl.ds(i * 16, 16)] = jnp.zeros((16,), jnp.float32)
            return carry

        lax.fori_loop(0, CHUNK // 16, zbody, 0)
        pltpu.sync_copy(z_v, deg_sh.at[pl.ds(lo, CHUNK)])
        plsc.subcore_barrier()

        def dbody(j, carry):
            b = lax.rem(j, NBUF)

            @pl.when(j >= NBUF)
            def _wait_prev():
                pltpu.make_async_copy(
                    ones_v, deg_sh.at[dst_v.at[0]], ssem.at[b]).wait()

            pltpu.async_copy(ones_v, deg_sh.at[dst_v.at[j]], ssem.at[b],
                             add=True)
            return carry

        lax.fori_loop(0, S, dbody, 0)
        for b in range(NBUF):
            pltpu.make_async_copy(
                ones_v, deg_sh.at[dst_v.at[0]], ssem.at[b]).wait()
        plsc.subcore_barrier()
        pltpu.sync_copy(deg_sh.at[pl.ds(lo, CHUNK)],
                        deg_out.at[cid, pl.ds(lo, CHUNK)])

    @functools.partial(
        pl.kernel,
        out_type=jax.ShapeDtypeStruct((NC, NP, Hp), jnp.float32),
        mesh=mesh,
        compiler_params=sc_params,
        scratch_types=[
            pltpu.VMEM((S, B), jnp.int32),
            pltpu.VMEM((S, B), jnp.int32),
            pltpu.VMEM((NBUF, B, Hp), jnp.float32),
            pltpu.VMEM_SHARED((NP, Hp), jnp.float32),
            pltpu.SemaphoreType.DMA((NBUF,)),
            pltpu.SemaphoreType.DMA((NBUF,)),
        ],
    )
    def launch_e(src_hbm, dst_hbm, y_hbm, z_hbm,
                 a_out, src_v, dst_v, rows_v, acc_sh, gsem, ssem):
        cid = lax.axis_index("c")
        sid = lax.axis_index("s")
        lo = sid * CHUNK
        pltpu.sync_copy(src_hbm.at[2 * sid + cid], src_v)
        pltpu.sync_copy(dst_hbm.at[2 * sid + cid], dst_v)
        pltpu.sync_copy(z_hbm.at[pl.ds(lo, CHUNK)],
                        acc_sh.at[pl.ds(lo, CHUNK)])
        plsc.subcore_barrier()

        def body(j, carry):
            @pl.when(j < S)
            def _gather():
                b = lax.rem(j, NBUF)

                @pl.when(j >= NBUF)
                def _wait_scatter():
                    pltpu.make_async_copy(
                        rows_v.at[b], acc_sh.at[src_v.at[0]], ssem.at[b]).wait()

                pltpu.async_copy(y_hbm.at[src_v.at[j]], rows_v.at[b],
                                 gsem.at[b])

            jj = j - GAHEAD

            @pl.when(jj >= 0)
            def _scatter():
                bb = lax.rem(jj, NBUF)
                pltpu.make_async_copy(
                    y_hbm.at[src_v.at[jj]], rows_v.at[bb], gsem.at[bb]).wait()
                pltpu.async_copy(
                    rows_v.at[bb], acc_sh.at[dst_v.at[jj]], ssem.at[bb],
                    add=True)

            return carry

        lax.fori_loop(0, S + GAHEAD, body, 0)
        for b in range(NBUF):
            pltpu.make_async_copy(
                rows_v.at[b], acc_sh.at[src_v.at[0]], ssem.at[b]).wait()
        plsc.subcore_barrier()
        pltpu.sync_copy(acc_sh.at[pl.ds(lo, CHUNK)],
                        a_out.at[cid, pl.ds(lo, CHUNK)])

    @functools.partial(
        pl.kernel,
        out_type=(jax.ShapeDtypeStruct((NC, NP, Hp), jnp.float32),
                  jax.ShapeDtypeStruct((NC, NP, Hp), jnp.float32)),
        mesh=mesh,
        compiler_params=sc_params,
        scratch_types=[
            pltpu.VMEM((S, B), jnp.int32),
            pltpu.VMEM((S, B), jnp.int32),
            pltpu.VMEM((16,), jnp.float32),
            pltpu.VMEM((CHUNK, Hp), jnp.float32),
            pltpu.VMEM((CHUNK, Hp), jnp.float32),
            pltpu.VMEM((CHUNK, Hp), jnp.float32),
            pltpu.VMEM((CHUNK, Hp), jnp.float32),
            pltpu.VMEM((NBUF, B, Hp), jnp.float32),
            pltpu.VMEM_SHARED((NP, Hp), jnp.float32),
            pltpu.SemaphoreType.DMA((NBUF,)),
            pltpu.SemaphoreType.DMA((NBUF,)),
        ],
    )
    def launch_b(src_hbm, dst_hbm, a_hbm, y_hbm, dinv_hbm, b1_hbm, z_hbm,
                 c_out, g_out,
                 src_v, dst_v, b1_v, dinv_v, p0_v, p1_v, y_v, rows_v,
                 acc_sh, gsem, ssem):
        cid = lax.axis_index("c")
        sid = lax.axis_index("s")
        lo = sid * CHUNK
        pltpu.sync_copy(src_hbm.at[2 * sid + cid], src_v)
        pltpu.sync_copy(dst_hbm.at[2 * sid + cid], dst_v)
        pltpu.sync_copy(b1_hbm, b1_v)
        pltpu.sync_copy(a_hbm.at[0, pl.ds(lo, CHUNK)], p0_v)
        pltpu.sync_copy(a_hbm.at[1, pl.ds(lo, CHUNK)], p1_v)
        pltpu.sync_copy(y_hbm.at[pl.ds(lo, CHUNK)], y_v)
        pltpu.sync_copy(dinv_hbm.at[pl.ds(lo, CHUNK)], dinv_v)
        pltpu.sync_copy(z_hbm.at[pl.ds(lo, CHUNK)],
                        acc_sh.at[pl.ds(lo, CHUNK)])
        b1row = b1_v[...]

        def gbody(i, carry):
            di = dinv_v[i, :]
            s = p0_v[i, :] + p1_v[i, :] + y_v[i, :]
            h = jnp.maximum(s * di + b1row, 0.0)
            p0_v[i, :] = h * di
            return carry

        lax.fori_loop(0, CHUNK, gbody, 0)
        pltpu.sync_copy(p0_v, g_out.at[cid, pl.ds(lo, CHUNK)])
        plsc.subcore_barrier()

        g2d = g_out.at[cid]

        def body(j, carry):
            @pl.when(j < S)
            def _gather():
                b = lax.rem(j, NBUF)

                @pl.when(j >= NBUF)
                def _wait_scatter():
                    pltpu.make_async_copy(
                        rows_v.at[b], acc_sh.at[src_v.at[0]], ssem.at[b]).wait()

                pltpu.async_copy(g2d.at[src_v.at[j]], rows_v.at[b],
                                 gsem.at[b])

            jj = j - GAHEAD

            @pl.when(jj >= 0)
            def _scatter():
                bb = lax.rem(jj, NBUF)
                pltpu.make_async_copy(
                    g2d.at[src_v.at[jj]], rows_v.at[bb], gsem.at[bb]).wait()
                pltpu.async_copy(
                    rows_v.at[bb], acc_sh.at[dst_v.at[jj]], ssem.at[bb],
                    add=True)

            return carry

        lax.fori_loop(0, S + GAHEAD, body, 0)
        for b in range(NBUF):
            pltpu.make_async_copy(
                rows_v.at[b], acc_sh.at[src_v.at[0]], ssem.at[b]).wait()
        plsc.subcore_barrier()
        pltpu.sync_copy(acc_sh.at[pl.ds(lo, CHUNK)],
                        c_out.at[cid, pl.ds(lo, CHUNK)])

    def mm_body(x_ref, w_ref, o_ref):
        o_ref[...] = jnp.dot(x_ref[...], w_ref[...],
                             preferred_element_type=jnp.float32)

    mm1 = pl.pallas_call(
        mm_body, out_shape=jax.ShapeDtypeStruct((N, Hp), jnp.float32))

    def prep_body(xw_ref, deg_ref, y_ref, dinv_ref):
        dt = deg_ref[0, pl.ds(0, N)] + deg_ref[1, pl.ds(0, N)]
        dinv = lax.rsqrt(dt + 1.0)[:, None]
        dinv_ref[pl.ds(0, N), :] = jnp.broadcast_to(dinv, (N, Hp))
        dinv_ref[pl.ds(N, NP - N), :] = jnp.ones((NP - N, Hp), jnp.float32)
        y_ref[pl.ds(0, N), :] = xw_ref[...] * dinv
        y_ref[pl.ds(N, NP - N), :] = jnp.zeros((NP - N, Hp), jnp.float32)

    prep = pl.pallas_call(
        prep_body,
        out_shape=(jax.ShapeDtypeStruct((NP, Hp), jnp.float32),
                   jax.ShapeDtypeStruct((NP, Hp), jnp.float32)))

    def fin_body(c_ref, g_ref, dinv_ref, w2_ref, b2_ref, o_ref):
        t = dinv_ref[pl.ds(0, N), :] * (
            c_ref[0, pl.ds(0, N), :] + c_ref[1, pl.ds(0, N), :]
            + g_ref[0, pl.ds(0, N), :])
        o = jnp.dot(t, w2_ref[...],
                    preferred_element_type=jnp.float32) + b2_ref[...]
        col = lax.broadcasted_iota(jnp.int32, o.shape, 1)
        om = jnp.where(col < C, o, -jnp.inf)
        m = jnp.max(om, axis=1, keepdims=True)
        s = jnp.sum(jnp.where(col < C, jnp.exp(o - m), 0.0), axis=1,
                    keepdims=True)
        o_ref[...] = o - (m + jnp.log(s))

    fin = pl.pallas_call(
        fin_body, out_shape=jax.ShapeDtypeStruct((N, Hp), jnp.float32))

    return launch_h, launch_e, launch_b, mm1, prep, fin, NP, S, EP


def kernel(x, edge_index, W1, b1, W2, b2):
    N, D = x.shape
    E = edge_index.shape[1]
    H = W1.shape[1]
    C = W2.shape[1]
    Hp = 16
    (launch_h, launch_e, launch_b, mm1, prep, fin,
     NP, S, EP) = _build(N, E, D, H, C)

    src = edge_index[0].astype(jnp.int32)
    dst = edge_index[1].astype(jnp.int32)
    pad = EP - E
    lanes = jnp.arange(pad, dtype=jnp.int32) % 16
    srcp = jnp.concatenate([src, lanes]).reshape(NW, S, B)
    dstp = jnp.concatenate([dst, N + lanes]).reshape(NW, S, B)

    zr = jnp.zeros((NP, Hp), jnp.float32)
    W2p = jnp.concatenate(
        [W2, jnp.zeros((H, Hp - C), jnp.float32)], axis=1)
    b2p = jnp.concatenate([b2, jnp.zeros((Hp - C,), jnp.float32)]).reshape(1, Hp)

    xw = mm1(x, W1)
    deg = launch_h(dstp)
    y1, dinv2 = prep(xw, deg)
    a = launch_e(srcp, dstp, y1, zr)
    c, g = launch_b(srcp, dstp, a, y1, dinv2, b1, zr)
    out = fin(c, g, dinv2, W2p, b2p)
    return out[:, :C]

# --- scband reference (transcript-rebuilt; emitter-appended) ---
"""Pipeline reference for scband-net-41944650612844 (READ-ONLY COPY).

The authoritative reference and input builder live on the scoring server;
editing this copy changes nothing except your own understanding.
"""

import jax, jax.numpy as jnp
import numpy as np

N = 10000
E = 320000
D = 128
H = 16
C = 11


def _gcn_conv(x, W, b, src, dst, num_nodes):
    # GCNConv with add_self_loops=True and symmetric normalization (PyG default)
    loop = jnp.arange(num_nodes, dtype=src.dtype)
    src_full = jnp.concatenate([src, loop])
    dst_full = jnp.concatenate([dst, loop])
    deg = jnp.zeros((num_nodes,), dtype=x.dtype).at[dst_full].add(1.0)
    dinv = jnp.where(deg > 0, deg ** -0.5, 0.0)
    norm = dinv[src_full] * dinv[dst_full]
    xw = x @ W
    msg = xw[src_full] * norm[:, None]
    out = jnp.zeros((num_nodes, xw.shape[1]), dtype=x.dtype).at[dst_full].add(msg)
    return out + b


def setup_inputs(seed: int = 0) -> dict:
    key = jax.random.key(seed)
    k1, k2, k3, k4, k5, k6 = jax.random.split(key, 6)
    x = jax.random.normal(k1, (N, D), dtype=jnp.float32)
    edge_index = jax.random.randint(k2, (2, E), 0, N, dtype=jnp.int64 if jax.config.jax_enable_x64 else jnp.int32).astype(jnp.int32)
    W1 = jax.random.normal(k3, (D, H), dtype=jnp.float32) * (1.0 / np.sqrt(D))
    b1 = jnp.zeros((H,), dtype=jnp.float32)
    W2 = jax.random.normal(k4, (H, C), dtype=jnp.float32) * (1.0 / np.sqrt(H))
    b2 = jnp.zeros((C,), dtype=jnp.float32)
    return {"x": x, "edge_index": edge_index, "W1": W1, "b1": b1, "W2": W2, "b2": b2}


def reference(x, edge_index, W1, b1, W2, b2):
    src = edge_index[0]
    dst = edge_index[1]
    h = _gcn_conv(x, W1, b1, src, dst, N)
    h = jax.nn.relu(h)
    # dropout is identity in eval mode
    out = _gcn_conv(h, W2, b2, src, dst, N)
    return out - jax.scipy.special.logsumexp(out, axis=1, keepdims=True)

if __name__ == "__main__":
    import jax
    _d = setup_inputs()
    print(jax.jit(kernel)(*tuple(_d.values())))

</pallas_src>

<mosaic_0001>
#map = affine_map<(d0, d1) -> (0, 0, 0)>
#map1 = affine_map<(d0, d1) -> (0, 0)>
module attributes {stable_mosaic.version = 14 : i64} {
  func.func @launch_h(%arg0: i32, %arg1: i32, %arg2: memref<32x80x128xi32, #tpu.memory_space<hbm>>, %arg3: memref<2x10240xf32, #tpu.memory_space<hbm>>, %arg4: memref<80x128xi32, #tpu.memory_space<vmem>>, %arg5: memref<128xf32, #tpu.memory_space<vmem>>, %arg6: memref<640xf32, #tpu.memory_space<vmem>>, %arg7: memref<10240xf32, #tpu.memory_space<vmem_shared>>, %arg8: memref<8x!tpu.dma_semaphore, #tpu.memory_space<semaphore_mem>>) attributes {dimension_semantics = [#tpu.dimension_semantics<core_parallel>, #tpu.dimension_semantics<subcore_parallel>], iteration_bounds = array<i64: 2, 16>, scalar_prefetch = 0 : i64, scratch_operands = 5 : i64, tpu.core_type = #tpu.core_type<sc_vector_subcore>, window_params = [{transform_indices = #map}, {transform_indices = #map1}]} {
    %mul3A = arith.constant 640 : i32
    %mul3A_0 = arith.muli %arg1, %mul3A : i32
    %mul3A_1 = arith.constant 2 : i32
    %mul3A_2 = arith.muli %mul3A_1, %arg1 : i32
    %add3A = arith.addi %mul3A_2, %arg0 : i32
    "tpu.region"() ({
      %run_scoped3A = tpu.sem_alloc : memref<!tpu.dma_semaphore, #tpu.memory_space<semaphore_mem>>
      %dma_start3A = arith.constant 0 : i32
      %dma_start3A_132 = arith.constant 0 : i32
      %dma_start3A_133 = tpu.memref_slice %arg2[%add3A, %dma_start3A, %dma_start3A_132] : memref<32x80x128xi32, #tpu.memory_space<hbm>> -> memref<1x80x128xi32, #tpu.memory_space<hbm>>
      %dma_start3A_134 = tpu.memref_squeeze %dma_start3A_133 : memref<1x80x128xi32, #tpu.memory_space<hbm>> -> memref<80x128xi32, #tpu.memory_space<hbm>>
      %dma_start3A_135 = arith.constant 0 : i32
      %dma_start3A_136 = arith.constant 0 : i32
      %dma_start3A_137 = tpu.memref_slice %arg2[%add3A, %dma_start3A_135, %dma_start3A_136] : memref<32x80x128xi32, #tpu.memory_space<hbm>> -> memref<1x80x128xi32, #tpu.memory_space<hbm>>
      %dma_start3A_138 = tpu.memref_squeeze %dma_start3A_137 : memref<1x80x128xi32, #tpu.memory_space<hbm>> -> memref<80x128xi32, #tpu.memory_space<hbm>>
      tpu.enqueue_dma source(%dma_start3A_138 : memref<80x128xi32, #tpu.memory_space<hbm>>) target(%arg4 : memref<80x128xi32, #tpu.memory_space<vmem>>) target_semaphore(%run_scoped3A : memref<!tpu.dma_semaphore, #tpu.memory_space<semaphore_mem>>)
      %dma_wait3A_139 = arith.constant 0 : i32
      %dma_wait3A_140 = arith.constant 0 : i32
      %dma_wait3A_141 = tpu.memref_slice %arg2[%add3A, %dma_wait3A_139, %dma_wait3A_140] : memref<32x80x128xi32, #tpu.memory_space<hbm>> -> memref<1x80x128xi32, #tpu.memory_space<hbm>>
      %dma_wait3A_142 = tpu.memref_squeeze %dma_wait3A_141 : memref<1x80x128xi32, #tpu.memory_space<hbm>> -> memref<80x128xi32, #tpu.memory_space<hbm>>
      %dma_wait3A_143 = arith.constant 0 : i32
      %dma_wait3A_144 = arith.constant 0 : i32
      %dma_wait3A_145 = tpu.memref_slice %arg2[%add3A, %dma_wait3A_143, %dma_wait3A_144] : memref<32x80x128xi32, #tpu.memory_space<hbm>> -> memref<1x80x128xi32, #tpu.memory_space<hbm>>
      %dma_wait3A_146 = tpu.memref_squeeze %dma_wait3A_145 : memref<1x80x128xi32, #tpu.memory_space<hbm>> -> memref<80x128xi32, #tpu.memory_space<hbm>>
      tpu.wait_dma2 semaphore(%run_scoped3A : memref<!tpu.dma_semaphore, #tpu.memory_space<semaphore_mem>>) src(%dma_wait3A_146 : memref<80x128xi32, #tpu.memory_space<hbm>>) dst(%arg4 : memref<80x128xi32, #tpu.memory_space<vmem>>)
      tpu.yield
    }) : () -> ()
    %broadcast_in_dim3A = arith.constant 1.000000e+00 : f32
    %broadcast_in_dim3A_3 = vector.broadcast %broadcast_in_dim3A : f32 to vector<16xf32>
    %swap3A = arith.constant 0 : index
    %swap3A_4 = tpu.vector_load %arg5[%swap3A] {strides = array<i32>} : memref<128xf32, #tpu.memory_space<vmem>>, vector<16xf32>,
    %swap3A_5 = vector.shape_cast %swap3A_4 : vector<16xf32> to vector<16xf32>
    %swap3A_6 = vector.shape_cast %broadcast_in_dim3A_3 : vector<16xf32> to vector<16xf32>
    tpu.vector_store %arg5[%swap3A], %swap3A_6 {strides = array<i32>} : memref<128xf32, #tpu.memory_space<vmem>>, vector<16xf32>,
    %broadcast_in_dim3A_7 = arith.constant 1.000000e+00 : f32
    %broadcast_in_dim3A_8 = vector.broadcast %broadcast_in_dim3A_7 : f32 to vector<16xf32>
    %swap3A_9 = arith.constant 16 : index
    %swap3A_10 = tpu.vector_load %arg5[%swap3A_9] {strides = array<i32>} : memref<128xf32, #tpu.memory_space<vmem>>, vector<16xf32>,
    %swap3A_11 = vector.shape_cast %swap3A_10 : vector<16xf32> to vector<16xf32>
    %swap3A_12 = vector.shape_cast %broadcast_in_dim3A_8 : vector<16xf32> to vector<16xf32>
    tpu.vector_store %arg5[%swap3A_9], %swap3A_12 {strides = array<i32>} : memref<128xf32, #tpu.memory_space<vmem>>, vector<16xf32>,
    %broadcast_in_dim3A_13 = arith.constant 1.000000e+00 : f32
    %broadcast_in_dim3A_14 = vector.broadcast %broadcast_in_dim3A_13 : f32 to vector<16xf32>
    %swap3A_15 = arith.constant 32 : index
    %swap3A_16 = tpu.vector_load %arg5[%swap3A_15] {strides = array<i32>} : memref<128xf32, #tpu.memory_space<vmem>>, vector<16xf32>,
    %swap3A_17 = vector.shape_cast %swap3A_16 : vector<16xf32> to vector<16xf32>
    %swap3A_18 = vector.shape_cast %broadcast_in_dim3A_14 : vector<16xf32> to vector<16xf32>
    tpu.vector_store %arg5[%swap3A_15], %swap3A_18 {strides = array<i32>} : memref<128xf32, #tpu.memory_space<vmem>>, vector<16xf32>,
    %broadcast_in_dim3A_19 = arith.constant 1.000000e+00 : f32
    %broadcast_in_dim3A_20 = vector.broadcast %broadcast_in_dim3A_19 : f32 to vector<16xf32>
    %swap3A_21 = arith.constant 48 : index
    %swap3A_22 = tpu.vector_load %arg5[%swap3A_21] {strides = array<i32>} : memref<128xf32, #tpu.memory_space<vmem>>, vector<16xf32>,
    %swap3A_23 = vector.shape_cast %swap3A_22 : vector<16xf32> to vector<16xf32>
    %swap3A_24 = vector.shape_cast %broadcast_in_dim3A_20 : vector<16xf32> to vector<16xf32>
    tpu.vector_store %arg5[%swap3A_21], %swap3A_24 {strides = array<i32>} : memref<128xf32, #tpu.memory_space<vmem>>, vector<16xf32>,
    %broadcast_in_dim3A_25 = arith.constant 1.000000e+00 : f32
    %broadcast_in_dim3A_26 = vector.broadcast %broadcast_in_dim3A_25 : f32 to vector<16xf32>
    %swap3A_27 = arith.constant 64 : index
    %swap3A_28 = tpu.vector_load %arg5[%swap3A_27] {strides = array<i32>} : memref<128xf32, #tpu.memory_space<vmem>>, vector<16xf32>,
    %swap3A_29 = vector.shape_cast %swap3A_28 : vector<16xf32> to vector<16xf32>
    %swap3A_30 = vector.shape_cast %broadcast_in_dim3A_26 : vector<16xf32> to vector<16xf32>
    tpu.vector_store %arg5[%swap3A_27], %swap3A_30 {strides = array<i32>} : memref<128xf32, #tpu.memory_space<vmem>>, vector<16xf32>,
    %broadcast_in_dim3A_31 = arith.constant 1.000000e+00 : f32
    %broadcast_in_dim3A_32 = vector.broadcast %broadcast_in_dim3A_31 : f32 to vector<16xf32>
    %swap3A_33 = arith.constant 80 : index
    %swap3A_34 = tpu.vector_load %arg5[%swap3A_33] {strides = array<i32>} : memref<128xf32, #tpu.memory_space<vmem>>, vector<16xf32>,
    %swap3A_35 = vector.shape_cast %swap3A_34 : vector<16xf32> to vector<16xf32>
    %swap3A_36 = vector.shape_cast %broadcast_in_dim3A_32 : vector<16xf32> to vector<16xf32>
    tpu.vector_store %arg5[%swap3A_33], %swap3A_36 {strides = array<i32>} : memref<128xf32, #tpu.memory_space<vmem>>, vector<16xf32>,
    %broadcast_in_dim3A_37 = arith.constant 1.000000e+00 : f32
    %broadcast_in_dim3A_38 = vector.broadcast %broadcast_in_dim3A_37 : f32 to vector<16xf32>
    %swap3A_39 = arith.constant 96 : index
    %swap3A_40 = tpu.vector_load %arg5[%swap3A_39] {strides = array<i32>} : memref<128xf32, #tpu.memory_space<vmem>>, vector<16xf32>,
    %swap3A_41 = vector.shape_cast %swap3A_40 : vector<16xf32> to vector<16xf32>
    %swap3A_42 = vector.shape_cast %broadcast_in_dim3A_38 : vector<16xf32> to vector<16xf32>
    tpu.vector_store %arg5[%swap3A_39], %swap3A_42 {strides = array<i32>} : memref<128xf32, #tpu.memory_space<vmem>>, vector<16xf32>,
    %broadcast_in_dim3A_43 = arith.constant 1.000000e+00 : f32
    %broadcast_in_dim3A_44 = vector.broadcast %broadcast_in_dim3A_43 : f32 to vector<16xf32>
    %swap3A_45 = arith.constant 112 : index
    %swap3A_46 = tpu.vector_load %arg5[%swap3A_45] {strides = array<i32>} : memref<128xf32, #tpu.memory_space<vmem>>, vector<16xf32>,
    %swap3A_47 = vector.shape_cast %swap3A_46 : vector<16xf32> to vector<16xf32>
    %swap3A_48 = vector.shape_cast %broadcast_in_dim3A_44 : vector<16xf32> to vector<16xf32>
    tpu.vector_store %arg5[%swap3A_45], %swap3A_48 {strides = array<i32>} : memref<128xf32, #tpu.memory_space<vmem>>, vector<16xf32>,
    %scan3A = arith.constant 0 : i32
    %scan3A_49 = arith.constant 0 : i32
    %scan3A_50 = arith.constant 40 : i32
    %scan3A_51 = arith.addi %scan3A_49, %scan3A_50 : i32
    %scan3A_52 = arith.constant 1 : i32
    scf.for %scan3A_132 = %scan3A_49 to %scan3A_51 step %scan3A_52  : i32 {
      %broadcast_in_dim3A_133 = arith.constant 0.000000e+00 : f32
      %broadcast_in_dim3A_134 = vector.broadcast %broadcast_in_dim3A_133 : f32 to vector<16xf32>
      %mul3A_135 = arith.constant 16 : i32
      %mul3A_136 = arith.muli %scan3A_132, %mul3A_135 : i32
      %swap3A_137 = arith.index_cast %mul3A_136 : i32 to index
      %swap3A_138 = tpu.vector_load %arg6[%swap3A_137] {strides = array<i32>} : memref<640xf32, #tpu.memory_space<vmem>>, vector<16xf32>,
      %swap3A_139 = vector.shape_cast %swap3A_138 : vector<16xf32> to vector<16xf32>
      %swap3A_140 = vector.shape_cast %broadcast_in_dim3A_134 : vector<16xf32> to vector<16xf32>
      tpu.vector_store %arg6[%swap3A_137], %swap3A_140 {strides = array<i32>} : memref<640xf32, #tpu.memory_space<vmem>>, vector<16xf32>,
    }
    %scan3A_53 = arith.constant 40 : i32
    "tpu.region"() ({
      %run_scoped3A = tpu.sem_alloc : memref<!tpu.dma_semaphore, #tpu.memory_space<semaphore_mem>>
      %dma_start3A = tpu.memref_slice %arg7[%mul3A_0] : memref<10240xf32, #tpu.memory_space<vmem_shared>> -> memref<640xf32, #tpu.memory_space<vmem_shared>>
      %dma_start3A_132 = tpu.memref_slice %arg7[%mul3A_0] : memref<10240xf32, #tpu.memory_space<vmem_shared>> -> memref<640xf32, #tpu.memory_space<vmem_shared>>
      tpu.enqueue_dma source(%arg6 : memref<640xf32, #tpu.memory_space<vmem>>) target(%dma_start3A_132 : memref<640xf32, #tpu.memory_space<vmem_shared>>) target_semaphore(%run_scoped3A : memref<!tpu.dma_semaphore, #tpu.memory_space<semaphore_mem>>)
      %dma_wait3A_133 = tpu.memref_slice %arg7[%mul3A_0] : memref<10240xf32, #tpu.memory_space<vmem_shared>> -> memref<640xf32, #tpu.memory_space<vmem_shared>>
      %dma_wait3A_134 = tpu.memref_slice %arg7[%mul3A_0] : memref<10240xf32, #tpu.memory_space<vmem_shared>> -> memref<640xf32, #tpu.memory_space<vmem_shared>>
      tpu.wait_dma2 semaphore(%run_scoped3A : memref<!tpu.dma_semaphore, #tpu.memory_space<semaphore_mem>>) src(%arg6 : memref<640xf32, #tpu.memory_space<vmem>>) dst(%dma_wait3A_134 : memref<640xf32, #tpu.memory_space<vmem_shared>>)
      tpu.yield
    }) : () -> ()
    %barrier3A = arith.constant 0 : index
    tpu.barrier barrier_id(%barrier3A)
    %scan3A_54 = arith.constant 0 : i32
    %scan3A_55 = arith.constant 0 : i32
    %scan3A_56 = arith.constant 80 : i32
    %scan3A_57 = arith.addi %scan3A_55, %scan3A_56 : i32
    %scan3A_58 = arith.constant 1 : i32
    scf.for %scan3A_132 = %scan3A_55 to %scan3A_57 step %scan3A_58  : i32 {
      %rem3A = arith.constant 8 : i32
      %rem3A_133 = arith.remsi %scan3A_132, %rem3A : i32
      %ge3A = arith.constant 8 : i32
      %ge3A_134 = arith.cmpi sge, %scan3A_132, %ge3A : i32
      %convert_element_type3A = arith.extui %ge3A_134 : i1 to i32
      %cond3A = arith.constant 0 : i32
      %cond3A_135 = arith.cmpi ne, %convert_element_type3A, %cond3A : i32
      scf.if %cond3A_135 {
        %dma_wait3A_142 = arith.constant 0 : i32
        %dma_wait3A_143 = arith.constant 0 : i32
        %dma_wait3A_144 = tpu.memref_slice %arg4[%dma_wait3A_142, %dma_wait3A_143] : memref<80x128xi32, #tpu.memory_space<vmem>> -> memref<1x128xi32, #tpu.memory_space<vmem>>
        %dma_wait3A_145 = tpu.memref_squeeze %dma_wait3A_144 : memref<1x128xi32, #tpu.memory_space<vmem>> -> memref<128xi32, #tpu.memory_space<vmem>>
        %dma_wait3A_146 = arith.constant 0 : i32
        %dma_wait3A_147 = tpu.memref_slice %arg7[%dma_wait3A_146] : memref<10240xf32, #tpu.memory_space<vmem_shared>> -> memref<10240xf32, #tpu.memory_space<vmem_shared>>
        %dma_wait3A_148 = tpu.memref_slice %arg8[%rem3A_133] : memref<8x!tpu.dma_semaphore, #tpu.memory_space<semaphore_mem>> -> memref<1x!tpu.dma_semaphore, #tpu.memory_space<semaphore_mem>>
        %dma_wait3A_149 = tpu.memref_squeeze %dma_wait3A_148 : memref<1x!tpu.dma_semaphore, #tpu.memory_space<semaphore_mem>> -> memref<!tpu.dma_semaphore, #tpu.memory_space<semaphore_mem>>
        tpu.wait_indirect_dma semaphore(%dma_wait3A_149 : memref<!tpu.dma_semaphore, #tpu.memory_space<semaphore_mem>>) src(%arg5 : memref<128xf32, #tpu.memory_space<vmem>>) dst(%dma_wait3A_147 : memref<10240xf32, #tpu.memory_space<vmem_shared>>)
      } else {
      }
      %dma_start3A = arith.constant 0 : i32
      %dma_start3A_136 = tpu.memref_slice %arg4[%scan3A_132, %dma_start3A] : memref<80x128xi32, #tpu.memory_space<vmem>> -> memref<1x128xi32, #tpu.memory_space<vmem>>
      %dma_start3A_137 = tpu.memref_squeeze %dma_start3A_136 : memref<1x128xi32, #tpu.memory_space<vmem>> -> memref<128xi32, #tpu.memory_space<vmem>>
      %dma_start3A_138 = arith.constant 0 : i32
      %dma_start3A_139 = tpu.memref_slice %arg7[%dma_start3A_138] : memref<10240xf32, #tpu.memory_space<vmem_shared>> -> memref<10240xf32, #tpu.memory_space<vmem_shared>>
      %dma_start3A_140 = tpu.memref_slice %arg8[%rem3A_133] : memref<8x!tpu.dma_semaphore, #tpu.memory_space<semaphore_mem>> -> memref<1x!tpu.dma_semaphore, #tpu.memory_space<semaphore_mem>>
      %dma_start3A_141 = tpu.memref_squeeze %dma_start3A_140 : memref<1x!tpu.dma_semaphore, #tpu.memory_space<semaphore_mem>> -> memref<!tpu.dma_semaphore, #tpu.memory_space<semaphore_mem>>
      tpu.enqueue_indirect_dma source(%arg5 : memref<128xf32, #tpu.memory_space<vmem>>) target(%dma_start3A_139 : memref<10240xf32, #tpu.memory_space<vmem_shared>>) offsets(%dma_start3A_137 : memref<128xi32, #tpu.memory_space<vmem>>) semaphore(%dma_start3A_141 : memref<!tpu.dma_semaphore, #tpu.memory_space<semaphore_mem>>) {add = true}
    }
    %scan3A_59 = arith.constant 80 : i32
    %dma_wait3A = arith.constant 0 : i32
    %dma_wait3A_60 = arith.constant 0 : i32
    %dma_wait3A_61 = arith.constant 0 : i32
    %dma_wait3A_62 = tpu.memref_slice %arg4[%dma_wait3A, %dma_wait3A_61] : memref<80x128xi32, #tpu.memory_space<vmem>> -> memref<1x128xi32, #tpu.memory_space<vmem>>
    %dma_wait3A_63 = tpu.memref_squeeze %dma_wait3A_62 : memref<1x128xi32, #tpu.memory_space<vmem>> -> memref<128xi32, #tpu.memory_space<vmem>>
    %dma_wait3A_64 = arith.constant 0 : i32
    %dma_wait3A_65 = tpu.memref_slice %arg7[%dma_wait3A_64] : memref<10240xf32, #tpu.memory_space<vmem_shared>> -> memref<10240xf32, #tpu.memory_space<vmem_shared>>
    %dma_wait3A_66 = tpu.memref_slice %arg8[%dma_wait3A_60] : memref<8x!tpu.dma_semaphore, #tpu.memory_space<semaphore_mem>> -> memref<1x!tpu.dma_semaphore, #tpu.memory_space<semaphore_mem>>
    %dma_wait3A_67 = tpu.memref_squeeze %dma_wait3A_66 : memref<1x!tpu.dma_semaphore, #tpu.memory_space<semaphore_mem>> -> memref<!tpu.dma_semaphore, #tpu.memory_space<semaphore_mem>>
    tpu.wait_indirect_dma semaphore(%dma_wait3A_67 : memref<!tpu.dma_semaphore, #tpu.memory_space<semaphore_mem>>) src(%arg5 : memref<128xf32, #tpu.memory_space<vmem>>) dst(%dma_wait3A_65 : memref<10240xf32, #tpu.memory_space<vmem_shared>>)
    %dma_wait3A_68 = arith.constant 0 : i32
    %dma_wait3A_69 = arith.constant 1 : i32
    %dma_wait3A_70 = arith.constant 0 : i32
    %dma_wait3A_71 = tpu.memref_slice %arg4[%dma_wait3A_68, %dma_wait3A_70] : memref<80x128xi32, #tpu.memory_space<vmem>> -> memref<1x128xi32, #tpu.memory_space<vmem>>
    %dma_wait3A_72 = tpu.memref_squeeze %dma_wait3A_71 : memref<1x128xi32, #tpu.memory_space<vmem>> -> memref<128xi32, #tpu.memory_space<vmem>>
    %dma_wait3A_73 = arith.constant 0 : i32
    %dma_wait3A_74 = tpu.memref_slice %arg7[%dma_wait3A_73] : memref<10240xf32, #tpu.memory_space<vmem_shared>> -> memref<10240xf32, #tpu.memory_space<vmem_shared>>
    %dma_wait3A_75 = tpu.memref_slice %arg8[%dma_wait3A_69] : memref<8x!tpu.dma_semaphore, #tpu.memory_space<semaphore_mem>> -> memref<1x!tpu.dma_semaphore, #tpu.memory_space<semaphore_mem>>
    %dma_wait3A_76 = tpu.memref_squeeze %dma_wait3A_75 : memref<1x!tpu.dma_semaphore, #tpu.memory_space<semaphore_mem>> -> memref<!tpu.dma_semaphore, #tpu.memory_space<semaphore_mem>>
    tpu.wait_indirect_dma semaphore(%dma_wait3A_76 : memref<!tpu.dma_semaphore, #tpu.memory_space<semaphore_mem>>) src(%arg5 : memref<128xf32, #tpu.memory_space<vmem>>) dst(%dma_wait3A_74 : memref<10240xf32, #tpu.memory_space<vmem_shared>>)
    %dma_wait3A_77 = arith.constant 0 : i32
    %dma_wait3A_78 = arith.constant 2 : i32
    %dma_wait3A_79 = arith.constant 0 : i32
    %dma_wait3A_80 = tpu.memref_slice %arg4[%dma_wait3A_77, %dma_wait3A_79] : memref<80x128xi32, #tpu.memory_space<vmem>> -> memref<1x128xi32, #tpu.memory_space<vmem>>
    %dma_wait3A_81 = tpu.memref_squeeze %dma_wait3A_80 : memref<1x128xi32, #tpu.memory_space<vmem>> -> memref<128xi32, #tpu.memory_space<vmem>>
    %dma_wait3A_82 = arith.constant 0 : i32
    %dma_wait3A_83 = tpu.memref_slice %arg7[%dma_wait3A_82] : memref<10240xf32, #tpu.memory_space<vmem_shared>> -> memref<10240xf32, #tpu.memory_space<vmem_shared>>
    %dma_wait3A_84 = tpu.memref_slice %arg8[%dma_wait3A_78] : memref<8x!tpu.dma_semaphore, #tpu.memory_space<semaphore_mem>> -> memref<1x!tpu.dma_semaphore, #tpu.memory_space<semaphore_mem>>
    %dma_wait3A_85 = tpu.memref_squeeze %dma_wait3A_84 : memref<1x!tpu.dma_semaphore, #tpu.memory_space<semaphore_mem>> -> memref<!tpu.dma_semaphore, #tpu.memory_space<semaphore_mem>>
    tpu.wait_indirect_dma semaphore(%dma_wait3A_85 : memref<!tpu.dma_semaphore, #tpu.memory_space<semaphore_mem>>) src(%arg5 : memref<128xf32, #tpu.memory_space<vmem>>) dst(%dma_wait3A_83 : memref<10240xf32, #tpu.memory_space<vmem_shared>>)
    %dma_wait3A_86 = arith.constant 0 : i32
    %dma_wait3A_87 = arith.constant 3 : i32
    %dma_wait3A_88 = arith.constant 0 : i32
    %dma_wait3A_89 = tpu.memref_slice %arg4[%dma_wait3A_86, %dma_wait3A_88] : memref<80x128xi32, #tpu.memory_space<vmem>> -> memref<1x128xi32, #tpu.memory_space<vmem>>
    %dma_wait3A_90 = tpu.memref_squeeze %dma_wait3A_89 : memref<1x128xi32, #tpu.memory_space<vmem>> -> memref<128xi32, #tpu.memory_space<vmem>>
    %dma_wait3A_91 = arith.constant 0 : i32
    %dma_wait3A_92 = tpu.memref_slice %arg7[%dma_wait3A_91] : memref<10240xf32, #tpu.memory_space<vmem_shared>> -> memref<10240xf32, #tpu.memory_space<vmem_shared>>
    %dma_wait3A_93 = tpu.memref_slice %arg8[%dma_wait3A_87] : memref<8x!tpu.dma_semaphore, #tpu.memory_space<semaphore_mem>> -> memref<1x!tpu.dma_semaphore, #tpu.memory_space<semaphore_mem>>
    %dma_wait3A_94 = tpu.memref_squeeze %dma_wait3A_93 : memref<1x!tpu.dma_semaphore, #tpu.memory_space<semaphore_mem>> -> memref<!tpu.dma_semaphore, #tpu.memory_space<semaphore_mem>>
    tpu.wait_indirect_dma semaphore(%dma_wait3A_94 : memref<!tpu.dma_semaphore, #tpu.memory_space<semaphore_mem>>) src(%arg5 : memref<128xf32, #tpu.memory_space<vmem>>) dst(%dma_wait3A_92 : memref<10240xf32, #tpu.memory_space<vmem_shared>>)
    %dma_wait3A_95 = arith.constant 0 : i32
    %dma_wait3A_96 = arith.constant 4 : i32
    %dma_wait3A_97 = arith.constant 0 : i32
    %dma_wait3A_98 = tpu.memref_slice %arg4[%dma_wait3A_95, %dma_wait3A_97] : memref<80x128xi32, #tpu.memory_space<vmem>> -> memref<1x128xi32, #tpu.memory_space<vmem>>
    %dma_wait3A_99 = tpu.memref_squeeze %dma_wait3A_98 : memref<1x128xi32, #tpu.memory_space<vmem>> -> memref<128xi32, #tpu.memory_space<vmem>>
    %dma_wait3A_100 = arith.constant 0 : i32
    %dma_wait3A_101 = tpu.memref_slice %arg7[%dma_wait3A_100] : memref<10240xf32, #tpu.memory_space<vmem_shared>> -> memref<10240xf32, #tpu.memory_space<vmem_shared>>
    %dma_wait3A_102 = tpu.memref_slice %arg8[%dma_wait3A_96] : memref<8x!tpu.dma_semaphore, #tpu.memory_space<semaphore_mem>> -> memref<1x!tpu.dma_semaphore, #tpu.memory_space<semaphore_mem>>
    %dma_wait3A_103 = tpu.memref_squeeze %dma_wait3A_102 : memref<1x!tpu.dma_semaphore, #tpu.memory_space<semaphore_mem>> -> memref<!tpu.dma_semaphore, #tpu.memory_space<semaphore_mem>>
    tpu.wait_indirect_dma semaphore(%dma_wait3A_103 : memref<!tpu.dma_semaphore, #tpu.memory_space<semaphore_mem>>) src(%arg5 : memref<128xf32, #tpu.memory_space<vmem>>) dst(%dma_wait3A_101 : memref<10240xf32, #tpu.memory_space<vmem_shared>>)
    %dma_wait3A_104 = arith.constant 0 : i32
    %dma_wait3A_105 = arith.constant 5 : i32
    %dma_wait3A_106 = arith.constant 0 : i32
    %dma_wait3A_107 = tpu.memref_slice %arg4[%dma_wait3A_104, %dma_wait3A_106] : memref<80x128xi32, #tpu.memory_space<vmem>> -> memref<1x128xi32, #tpu.memory_space<vmem>>
    %dma_wait3A_108 = tpu.memref_squeeze %dma_wait3A_107 : memref<1x128xi32, #tpu.memory_space<vmem>> -> memref<128xi32, #tpu.memory_space<vmem>>
    %dma_wait3A_109 = arith.constant 0 : i32
    %dma_wait3A_110 = tpu.memref_slice %arg7[%dma_wait3A_109] : memref<10240xf32, #tpu.memory_space<vmem_shared>> -> memref<10240xf32, #tpu.memory_space<vmem_shared>>
    %dma_wait3A_111 = tpu.memref_slice %arg8[%dma_wait3A_105] : memref<8x!tpu.dma_semaphore, #tpu.memory_space<semaphore_mem>> -> memref<1x!tpu.dma_semaphore, #tpu.memory_space<semaphore_mem>>
    %dma_wait3A_112 = tpu.memref_squeeze %dma_wait3A_111 : memref<1x!tpu.dma_semaphore, #tpu.memory_space<semaphore_mem>> -> memref<!tpu.dma_semaphore, #tpu.memory_space<semaphore_mem>>
    tpu.wait_indirect_dma semaphore(%dma_wait3A_112 : memref<!tpu.dma_semaphore, #tpu.memory_space<semaphore_mem>>) src(%arg5 : memref<128xf32, #tpu.memory_space<vmem>>) dst(%dma_wait3A_110 : memref<10240xf32, #tpu.memory_space<vmem_shared>>)
    %dma_wait3A_113 = arith.constant 0 : i32
    %dma_wait3A_114 = arith.constant 6 : i32
    %dma_wait3A_115 = arith.constant 0 : i32
    %dma_wait3A_116 = tpu.memref_slice %arg4[%dma_wait3A_113, %dma_wait3A_115] : memref<80x128xi32, #tpu.memory_space<vmem>> -> memref<1x128xi32, #tpu.memory_space<vmem>>
    %dma_wait3A_117 = tpu.memref_squeeze %dma_wait3A_116 : memref<1x128xi32, #tpu.memory_space<vmem>> -> memref<128xi32, #tpu.memory_space<vmem>>
    %dma_wait3A_118 = arith.constant 0 : i32
    %dma_wait3A_119 = tpu.memref_slice %arg7[%dma_wait3A_118] : memref<10240xf32, #tpu.memory_space<vmem_shared>> -> memref<10240xf32, #tpu.memory_space<vmem_shared>>
    %dma_wait3A_120 = tpu.memref_slice %arg8[%dma_wait3A_114] : memref<8x!tpu.dma_semaphore, #tpu.memory_space<semaphore_mem>> -> memref<1x!tpu.dma_semaphore, #tpu.memory_space<semaphore_mem>>
    %dma_wait3A_121 = tpu.memref_squeeze %dma_wait3A_120 : memref<1x!tpu.dma_semaphore, #tpu.memory_space<semaphore_mem>> -> memref<!tpu.dma_semaphore, #tpu.memory_space<semaphore_mem>>
    tpu.wait_indirect_dma semaphore(%dma_wait3A_121 : memref<!tpu.dma_semaphore, #tpu.memory_space<semaphore_mem>>) src(%arg5 : memref<128xf32, #tpu.memory_space<vmem>>) dst(%dma_wait3A_119 : memref<10240xf32, #tpu.memory_space<vmem_shared>>)
    %dma_wait3A_122 = arith.constant 0 : i32
    %dma_wait3A_123 = arith.constant 7 : i32
    %dma_wait3A_124 = arith.constant 0 : i32
    %dma_wait3A_125 = tpu.memref_slice %arg4[%dma_wait3A_122, %dma_wait3A_124] : memref<80x128xi32, #tpu.memory_space<vmem>> -> memref<1x128xi32, #tpu.memory_space<vmem>>
    %dma_wait3A_126 = tpu.memref_squeeze %dma_wait3A_125 : memref<1x128xi32, #tpu.memory_space<vmem>> -> memref<128xi32, #tpu.memory_space<vmem>>
    %dma_wait3A_127 = arith.constant 0 : i32
    %dma_wait3A_128 = tpu.memref_slice %arg7[%dma_wait3A_127] : memref<10240xf32, #tpu.memory_space<vmem_shared>> -> memref<10240xf32, #tpu.memory_space<vmem_shared>>
    %dma_wait3A_129 = tpu.memref_slice %arg8[%dma_wait3A_123] : memref<8x!tpu.dma_semaphore, #tpu.memory_space<semaphore_mem>> -> memref<1x!tpu.dma_semaphore, #tpu.memory_space<semaphore_mem>>
    %dma_wait3A_130 = tpu.memref_squeeze %dma_wait3A_129 : memref<1x!tpu.dma_semaphore, #tpu.memory_space<semaphore_mem>> -> memref<!tpu.dma_semaphore, #tpu.memory_space<semaphore_mem>>
    tpu.wait_indirect_dma semaphore(%dma_wait3A_130 : memref<!tpu.dma_semaphore, #tpu.memory_space<semaphore_mem>>) src(%arg5 : memref<128xf32, #tpu.memory_space<vmem>>) dst(%dma_wait3A_128 : memref<10240xf32, #tpu.memory_space<vmem_shared>>)
    %barrier3A_131 = arith.constant 0 : index
    tpu.barrier barrier_id(%barrier3A_131)
    "tpu.region"() ({
      %run_scoped3A = tpu.sem_alloc : memref<!tpu.dma_semaphore, #tpu.memory_space<semaphore_mem>>
      %dma_start3A = tpu.memref_slice %arg3[%arg0, %mul3A_0] : memref<2x10240xf32, #tpu.memory_space<hbm>> -> memref<1x640xf32, #tpu.memory_space<hbm>>
      %dma_start3A_132 = tpu.memref_squeeze %dma_start3A : memref<1x640xf32, #tpu.memory_space<hbm>> -> memref<640xf32, #tpu.memory_space<hbm>>
      %dma_start3A_133 = tpu.memref_slice %arg7[%mul3A_0] : memref<10240xf32, #tpu.memory_space<vmem_shared>> -> memref<640xf32, #tpu.memory_space<vmem_shared>>
      tpu.enqueue_dma source(%dma_start3A_133 : memref<640xf32, #tpu.memory_space<vmem_shared>>) target(%dma_start3A_132 : memref<640xf32, #tpu.memory_space<hbm>>) target_semaphore(%run_scoped3A : memref<!tpu.dma_semaphore, #tpu.memory_space<semaphore_mem>>)
      %dma_wait3A_134 = tpu.memref_slice %arg3[%arg0, %mul3A_0] : memref<2x10240xf32, #tpu.memory_space<hbm>> -> memref<1x640xf32, #tpu.memory_space<hbm>>
      %dma_wait3A_135 = tpu.memref_squeeze %dma_wait3A_134 : memref<1x640xf32, #tpu.memory_space<hbm>> -> memref<640xf32, #tpu.memory_space<hbm>>
      %dma_wait3A_136 = tpu.memref_slice %arg7[%mul3A_0] : memref<10240xf32, #tpu.memory_space<vmem_shared>> -> memref<640xf32, #tpu.memory_space<vmem_shared>>
      tpu.wait_dma2 semaphore(%run_scoped3A : memref<!tpu.dma_semaphore, #tpu.memory_space<semaphore_mem>>) src(%dma_wait3A_136 : memref<640xf32, #tpu.memory_space<vmem_shared>>) dst(%dma_wait3A_135 : memref<640xf32, #tpu.memory_space<hbm>>)
      tpu.yield
    }) : () -> ()
    return
  }
}

#map = affine_map<(d0, d1) -> (0, 0, 0)>
#map1 = affine_map<(d0, d1) -> (0, 0)>
#map2 = affine_map<(d0, d1) -> (0)>
module attributes {stable_mosaic.version = 14 : i64} {
  func.func @launch_b(%arg0: i32, %arg1: i32, %arg2: memref<32x80x128xi32, #tpu.memory_space<hbm>>, %arg3: memref<32x80x128xi32, #tpu.memory_space<hbm>>, %arg4: memref<2x10240x16xf32, #tpu.memory_space<hbm>>, %arg5: memref<10240x16xf32, #tpu.memory_space<hbm>>, %arg6: memref<10240x16xf32, #tpu.memory_space<hbm>>, %arg7: memref<16xf32, #tpu.memory_space<hbm>>, %arg8: memref<10240x16xf32, #tpu.memory_space<hbm>>, %arg9: memref<2x10240x16xf32, #tpu.memory_space<hbm>>, %arg10: memref<2x10240x16xf32, #tpu.memory_space<hbm>>, %arg11: memref<80x128xi32, #tpu.memory_space<vmem>>, %arg12: memref<80x128xi32, #tpu.memory_space<vmem>>, %arg13: memref<16xf32, #tpu.memory_space<vmem>>, %arg14: memref<640x16xf32, #tpu.memory_space<vmem>>, %arg15: memref<640x16xf32, #tpu.memory_space<vmem>>, %arg16: memref<640x16xf32, #tpu.memory_space<vmem>>, %arg17: memref<640x16xf32, #tpu.memory_space<vmem>>, %arg18: memref<8x128x16xf32, #tpu.memory_space<vmem>>, %arg19: memref<10240x16xf32, #tpu.memory_space<vmem_shared>>, %arg20: memref<8x!tpu.dma_semaphore, #tpu.memory_space<semaphore_mem>>, %arg21: memref<8x!tpu.dma_semaphore, #tpu.memory_space<semaphore_mem>>) attributes {dimension_semantics = [#tpu.dimension_semantics<core_parallel>, #tpu.dimension_semantics<subcore_parallel>], iteration_bounds = array<i64: 2, 16>, scalar_prefetch = 0 : i64, scratch_operands = 11 : i64, tpu.core_type = #tpu.core_type<sc_vector_subcore>, window_params = [{transform_indices = #map}, {transform_indices = #map}, {transform_indices = #map}, {transform_indices = #map1}, {transform_indices = #map1}, {transform_indices = #map2}, {transform_indices = #map1}, {transform_indices = #map}, {transform_indices = #map}]} {
    %mul3A = arith.constant 640 : i32
    %mul3A_0 = arith.muli %arg1, %mul3A : i32
    %mul3A_1 = arith.constant 2 : i32
    %mul3A_2 = arith.muli %mul3A_1, %arg1 : i32
    %add3A = arith.addi %mul3A_2, %arg0 : i32
    "tpu.region"() ({
      %run_scoped3A_140 = tpu.sem_alloc : memref<!tpu.dma_semaphore, #tpu.memory_space<semaphore_mem>>
      %dma_start3A = arith.constant 0 : i32
      %dma_start3A_141 = arith.constant 0 : i32
      %dma_start3A_142 = tpu.memref_slice %arg2[%add3A, %dma_start3A, %dma_start3A_141] : memref<32x80x128xi32, #tpu.memory_space<hbm>> -> memref<1x80x128xi32, #tpu.memory_space<hbm>>
      %dma_start3A_143 = tpu.memref_squeeze %dma_start3A_142 : memref<1x80x128xi32, #tpu.memory_space<hbm>> -> memref<80x128xi32, #tpu.memory_space<hbm>>
      %dma_start3A_144 = arith.constant 0 : i32
      %dma_start3A_145 = arith.constant 0 : i32
      %dma_start3A_146 = tpu.memref_slice %arg2[%add3A, %dma_start3A_144, %dma_start3A_145] : memref<32x80x128xi32, #tpu.memory_space<hbm>> -> memref<1x80x128xi32, #tpu.memory_space<hbm>>
      %dma_start3A_147 = tpu.memref_squeeze %dma_start3A_146 : memref<1x80x128xi32, #tpu.memory_space<hbm>> -> memref<80x128xi32, #tpu.memory_space<hbm>>
      tpu.enqueue_dma source(%dma_start3A_147 : memref<80x128xi32, #tpu.memory_space<hbm>>) target(%arg11 : memref<80x128xi32, #tpu.memory_space<vmem>>) target_semaphore(%run_scoped3A_140 : memref<!tpu.dma_semaphore, #tpu.memory_space<semaphore_mem>>)
      %dma_wait3A_148 = arith.constant 0 : i32
      %dma_wait3A_149 = arith.constant 0 : i32
      %dma_wait3A_150 = tpu.memref_slice %arg2[%add3A, %dma_wait3A_148, %dma_wait3A_149] : memref<32x80x128xi32, #tpu.memory_space<hbm>> -> memref<1x80x128xi32, #tpu.memory_space<hbm>>
      %dma_wait3A_151 = tpu.memref_squeeze %dma_wait3A_150 : memref<1x80x128xi32, #tpu.memory_space<hbm>> -> memref<80x128xi32, #tpu.memory_space<hbm>>
      %dma_wait3A_152 = arith.constant 0 : i32
      %dma_wait3A_153 = arith.constant 0 : i32
      %dma_wait3A_154 = tpu.memref_slice %arg2[%add3A, %dma_wait3A_152, %dma_wait3A_153] : memref<32x80x128xi32, #tpu.memory_space<hbm>> -> memref<1x80x128xi32, #tpu.memory_space<hbm>>
      %dma_wait3A_155 = tpu.memref_squeeze %dma_wait3A_154 : memref<1x80x128xi32, #tpu.memory_space<hbm>> -> memref<80x128xi32, #tpu.memory_space<hbm>>
      tpu.wait_dma2 semaphore(%run_scoped3A_140 : memref<!tpu.dma_semaphore, #tpu.memory_space<semaphore_mem>>) src(%dma_wait3A_155 : memref<80x128xi32, #tpu.memory_space<hbm>>) dst(%arg11 : memref<80x128xi32, #tpu.memory_space<vmem>>)
      tpu.yield
    }) : () -> ()
    %mul3A_3 = arith.constant 2 : i32
    %mul3A_4 = arith.muli %mul3A_3, %arg1 : i32
    %add3A_5 = arith.addi %mul3A_4, %arg0 : i32
    "tpu.region"() ({
      %run_scoped3A_140 = tpu.sem_alloc : memref<!tpu.dma_semaphore, #tpu.memory_space<semaphore_mem>>
      %dma_start3A = arith.constant 0 : i32
      %dma_start3A_141 = arith.constant 0 : i32
      %dma_start3A_142 = tpu.memref_slice %arg3[%add3A_5, %dma_start3A, %dma_start3A_141] : memref<32x80x128xi32, #tpu.memory_space<hbm>> -> memref<1x80x128xi32, #tpu.memory_space<hbm>>
      %dma_start3A_143 = tpu.memref_squeeze %dma_start3A_142 : memref<1x80x128xi32, #tpu.memory_space<hbm>> -> memref<80x128xi32, #tpu.memory_space<hbm>>
      %dma_start3A_144 = arith.constant 0 : i32
      %dma_start3A_145 = arith.constant 0 : i32
      %dma_start3A_146 = tpu.memref_slice %arg3[%add3A_5, %dma_start3A_144, %dma_start3A_145] : memref<32x80x128xi32, #tpu.memory_space<hbm>> -> memref<1x80x128xi32, #tpu.memory_space<hbm>>
      %dma_start3A_147 = tpu.memref_squeeze %dma_start3A_146 : memref<1x80x128xi32, #tpu.memory_space<hbm>> -> memref<80x128xi32, #tpu.memory_space<hbm>>
      tpu.enqueue_dma source(%dma_start3A_147 : memref<80x128xi32, #tpu.memory_space<hbm>>) target(%arg12 : memref<80x128xi32, #tpu.memory_space<vmem>>) target_semaphore(%run_scoped3A_140 : memref<!tpu.dma_semaphore, #tpu.memory_space<semaphore_mem>>)
      %dma_wait3A_148 = arith.constant 0 : i32
      %dma_wait3A_149 = arith.constant 0 : i32
      %dma_wait3A_150 = tpu.memref_slice %arg3[%add3A_5, %dma_wait3A_148, %dma_wait3A_149] : memref<32x80x128xi32, #tpu.memory_space<hbm>> -> memref<1x80x128xi32, #tpu.memory_space<hbm>>
      %dma_wait3A_151 = tpu.memref_squeeze %dma_wait3A_150 : memref<1x80x128xi32, #tpu.memory_space<hbm>> -> memref<80x128xi32, #tpu.memory_space<hbm>>
      %dma_wait3A_152 = arith.constant 0 : i32
      %dma_wait3A_153 = arith.constant 0 : i32
      %dma_wait3A_154 = tpu.memref_slice %arg3[%add3A_5, %dma_wait3A_152, %dma_wait3A_153] : memref<32x80x128xi32, #tpu.memory_space<hbm>> -> memref<1x80x128xi32, #tpu.memory_space<hbm>>
      %dma_wait3A_155 = tpu.memref_squeeze %dma_wait3A_154 : memref<1x80x128xi32, #tpu.memory_space<hbm>> -> memref<80x128xi32, #tpu.memory_space<hbm>>
      tpu.wait_dma2 semaphore(%run_scoped3A_140 : memref<!tpu.dma_semaphore, #tpu.memory_space<semaphore_mem>>) src(%dma_wait3A_155 : memref<80x128xi32, #tpu.memory_space<hbm>>) dst(%arg12 : memref<80x128xi32, #tpu.memory_space<vmem>>)
      tpu.yield
    }) : () -> ()
    "tpu.region"() ({
      %run_scoped3A_140 = tpu.sem_alloc : memref<!tpu.dma_semaphore, #tpu.memory_space<semaphore_mem>>
      tpu.enqueue_dma source(%arg7 : memref<16xf32, #tpu.memory_space<hbm>>) target(%arg13 : memref<16xf32, #tpu.memory_space<vmem>>) target_semaphore(%run_scoped3A_140 : memref<!tpu.dma_semaphore, #tpu.memory_space<semaphore_mem>>)
      tpu.wait_dma2 semaphore(%run_scoped3A_140 : memref<!tpu.dma_semaphore, #tpu.memory_space<semaphore_mem>>) src(%arg7 : memref<16xf32, #tpu.memory_space<hbm>>) dst(%arg13 : memref<16xf32, #tpu.memory_space<vmem>>)
      tpu.yield
    }) : () -> ()
    %run_scoped3A = arith.constant 0 : i32
    "tpu.region"() ({
      %run_scoped3A_140 = tpu.sem_alloc : memref<!tpu.dma_semaphore, #tpu.memory_space<semaphore_mem>>
      %dma_start3A = arith.constant 0 : i32
      %dma_start3A_141 = tpu.memref_slice %arg4[%run_scoped3A, %mul3A_0, %dma_start3A] : memref<2x10240x16xf32, #tpu.memory_space<hbm>> -> memref<1x640x16xf32, #tpu.memory_space<hbm>>
      %dma_start3A_142 = tpu.memref_squeeze %dma_start3A_141 : memref<1x640x16xf32, #tpu.memory_space<hbm>> -> memref<640x16xf32, #tpu.memory_space<hbm>>
      %dma_start3A_143 = arith.constant 0 : i32
      %dma_start3A_144 = tpu.memref_slice %arg4[%run_scoped3A, %mul3A_0, %dma_start3A_143] : memref<2x10240x16xf32, #tpu.memory_space<hbm>> -> memref<1x640x16xf32, #tpu.memory_space<hbm>>
      %dma_start3A_145 = tpu.memref_squeeze %dma_start3A_144 : memref<1x640x16xf32, #tpu.memory_space<hbm>> -> memref<640x16xf32, #tpu.memory_space<hbm>>
      tpu.enqueue_dma source(%dma_start3A_145 : memref<640x16xf32, #tpu.memory_space<hbm>>) target(%arg15 : memref<640x16xf32, #tpu.memory_space<vmem>>) target_semaphore(%run_scoped3A_140 : memref<!tpu.dma_semaphore, #tpu.memory_space<semaphore_mem>>)
      %dma_wait3A_146 = arith.constant 0 : i32
      %dma_wait3A_147 = tpu.memref_slice %arg4[%run_scoped3A, %mul3A_0, %dma_wait3A_146] : memref<2x10240x16xf32, #tpu.memory_space<hbm>> -> memref<1x640x16xf32, #tpu.memory_space<hbm>>
      %dma_wait3A_148 = tpu.memref_squeeze %dma_wait3A_147 : memref<1x640x16xf32, #tpu.memory_space<hbm>> -> memref<640x16xf32, #tpu.memory_space<hbm>>
      %dma_wait3A_149 = arith.constant 0 : i32
      %dma_wait3A_150 = tpu.memref_slice %arg4[%run_scoped3A, %mul3A_0, %dma_wait3A_149] : memref<2x10240x16xf32, #tpu.memory_space<hbm>> -> memref<1x640x16xf32, #tpu.memory_space<hbm>>
      %dma_wait3A_151 = tpu.memref_squeeze %dma_wait3A_150 : memref<1x640x16xf32, #tpu.memory_space<hbm>> -> memref<640x16xf32, #tpu.memory_space<hbm>>
      tpu.wait_dma2 semaphore(%run_scoped3A_140 : memref<!tpu.dma_semaphore, #tpu.memory_space<semaphore_mem>>) src(%dma_wait3A_151 : memref<640x16xf32, #tpu.memory_space<hbm>>) dst(%arg15 : memref<640x16xf32, #tpu.memory_space<vmem>>)
      tpu.yield
    }) : () -> ()
    %run_scoped3A_6 = arith.constant 1 : i32
    "tpu.region"() ({
      %run_scoped3A_140 = tpu.sem_alloc : memref<!tpu.dma_semaphore, #tpu.memory_space<semaphore_mem>>
      %dma_start3A = arith.constant 0 : i32
      %dma_start3A_141 = tpu.memref_slice %arg4[%run_scoped3A_6, %mul3A_0, %dma_start3A] : memref<2x10240x16xf32, #tpu.memory_space<hbm>> -> memref<1x640x16xf32, #tpu.memory_space<hbm>>
      %dma_start3A_142 = tpu.memref_squeeze %dma_start3A_141 : memref<1x640x16xf32, #tpu.memory_space<hbm>> -> memref<640x16xf32, #tpu.memory_space<hbm>>
      %dma_start3A_143 = arith.constant 0 : i32
      %dma_start3A_144 = tpu.memref_slice %arg4[%run_scoped3A_6, %mul3A_0, %dma_start3A_143] : memref<2x10240x16xf32, #tpu.memory_space<hbm>> -> memref<1x640x16xf32, #tpu.memory_space<hbm>>
      %dma_start3A_145 = tpu.memref_squeeze %dma_start3A_144 : memref<1x640x16xf32, #tpu.memory_space<hbm>> -> memref<640x16xf32, #tpu.memory_space<hbm>>
      tpu.enqueue_dma source(%dma_start3A_145 : memref<640x16xf32, #tpu.memory_space<hbm>>) target(%arg16 : memref<640x16xf32, #tpu.memory_space<vmem>>) target_semaphore(%run_scoped3A_140 : memref<!tpu.dma_semaphore, #tpu.memory_space<semaphore_mem>>)
      %dma_wait3A_146 = arith.constant 0 : i32
      %dma_wait3A_147 = tpu.memref_slice %arg4[%run_scoped3A_6, %mul3A_0, %dma_wait3A_146] : memref<2x10240x16xf32, #tpu.memory_space<hbm>> -> memref<1x640x16xf32, #tpu.memory_space<hbm>>
      %dma_wait3A_148 = tpu.memref_squeeze %dma_wait3A_147 : memref<1x640x16xf32, #tpu.memory_space<hbm>> -> memref<640x16xf32, #tpu.memory_space<hbm>>
      %dma_wait3A_149 = arith.constant 0 : i32
      %dma_wait3A_150 = tpu.memref_slice %arg4[%run_scoped3A_6, %mul3A_0, %dma_wait3A_149] : memref<2x10240x16xf32, #tpu.memory_space<hbm>> -> memref<1x640x16xf32, #tpu.memory_space<hbm>>
      %dma_wait3A_151 = tpu.memref_squeeze %dma_wait3A_150 : memref<1x640x16xf32, #tpu.memory_space<hbm>> -> memref<640x16xf32, #tpu.memory_space<hbm>>
      tpu.wait_dma2 semaphore(%run_scoped3A_140 : memref<!tpu.dma_semaphore, #tpu.memory_space<semaphore_mem>>) src(%dma_wait3A_151 : memref<640x16xf32, #tpu.memory_space<hbm>>) dst(%arg16 : memref<640x16xf32, #tpu.memory_space<vmem>>)
      tpu.yield
    }) : () -> ()
    "tpu.region"() ({
      %run_scoped3A_140 = tpu.sem_alloc : memref<!tpu.dma_semaphore, #tpu.memory_space<semaphore_mem>>
      %dma_start3A = arith.constant 0 : i32
      %dma_start3A_141 = tpu.memref_slice %arg5[%mul3A_0, %dma_start3A] : memref<10240x16xf32, #tpu.memory_space<hbm>> -> memref<640x16xf32, #tpu.memory_space<hbm>>
      %dma_start3A_142 = arith.constant 0 : i32
      %dma_start3A_143 = tpu.memref_slice %arg5[%mul3A_0, %dma_start3A_142] : memref<10240x16xf32, #tpu.memory_space<hbm>> -> memref<640x16xf32, #tpu.memory_space<hbm>>
      tpu.enqueue_dma source(%dma_start3A_143 : memref<640x16xf32, #tpu.memory_space<hbm>>) target(%arg17 : memref<640x16xf32, #tpu.memory_space<vmem>>) target_semaphore(%run_scoped3A_140 : memref<!tpu.dma_semaphore, #tpu.memory_space<semaphore_mem>>)
      %dma_wait3A_144 = arith.constant 0 : i32
      %dma_wait3A_145 = tpu.memref_slice %arg5[%mul3A_0, %dma_wait3A_144] : memref<10240x16xf32, #tpu.memory_space<hbm>> -> memref<640x16xf32, #tpu.memory_space<hbm>>
      %dma_wait3A_146 = arith.constant 0 : i32
      %dma_wait3A_147 = tpu.memref_slice %arg5[%mul3A_0, %dma_wait3A_146] : memref<10240x16xf32, #tpu.memory_space<hbm>> -> memref<640x16xf32, #tpu.memory_space<hbm>>
      tpu.wait_dma2 semaphore(%run_scoped3A_140 : memref<!tpu.dma_semaphore, #tpu.memory_space<semaphore_mem>>) src(%dma_wait3A_147 : memref<640x16xf32, #tpu.memory_space<hbm>>) dst(%arg17 : memref<640x16xf32, #tpu.memory_space<vmem>>)
      tpu.yield
    }) : () -> ()
    "tpu.region"() ({
      %run_scoped3A_140 = tpu.sem_alloc : memref<!tpu.dma_semaphore, #tpu.memory_space<semaphore_mem>>
      %dma_start3A = arith.constant 0 : i32
      %dma_start3A_141 = tpu.memref_slice %arg6[%mul3A_0, %dma_start3A] : memref<10240x16xf32, #tpu.memory_space<hbm>> -> memref<640x16xf32, #tpu.memory_space<hbm>>
      %dma_start3A_142 = arith.constant 0 : i32
      %dma_start3A_143 = tpu.memref_slice %arg6[%mul3A_0, %dma_start3A_142] : memref<10240x16xf32, #tpu.memory_space<hbm>> -> memref<640x16xf32, #tpu.memory_space<hbm>>
      tpu.enqueue_dma source(%dma_start3A_143 : memref<640x16xf32, #tpu.memory_space<hbm>>) target(%arg14 : memref<640x16xf32, #tpu.memory_space<vmem>>) target_semaphore(%run_scoped3A_140 : memref<!tpu.dma_semaphore, #tpu.memory_space<semaphore_mem>>)
      %dma_wait3A_144 = arith.constant 0 : i32
      %dma_wait3A_145 = tpu.memref_slice %arg6[%mul3A_0, %dma_wait3A_144] : memref<10240x16xf32, #tpu.memory_space<hbm>> -> memref<640x16xf32, #tpu.memory_space<hbm>>
      %dma_wait3A_146 = arith.constant 0 : i32
      %dma_wait3A_147 = tpu.memref_slice %arg6[%mul3A_0, %dma_wait3A_146] : memref<10240x16xf32, #tpu.memory_space<hbm>> -> memref<640x16xf32, #tpu.memory_space<hbm>>
      tpu.wait_dma2 semaphore(%run_scoped3A_140 : memref<!tpu.dma_semaphore, #tpu.memory_space<semaphore_mem>>) src(%dma_wait3A_147 : memref<640x16xf32, #tpu.memory_space<hbm>>) dst(%arg14 : memref<640x16xf32, #tpu.memory_space<vmem>>)
      tpu.yield
    }) : () -> ()
    "tpu.region"() ({
      %run_scoped3A_140 = tpu.sem_alloc : memref<!tpu.dma_semaphore, #tpu.memory_space<semaphore_mem>>
      %dma_start3A = arith.constant 0 : i32
      %dma_start3A_141 = tpu.memref_slice %arg19[%mul3A_0, %dma_start3A] : memref<10240x16xf32, #tpu.memory_space<vmem_shared>> -> memref<640x16xf32, #tpu.memory_space<vmem_shared>>
      %dma_start3A_142 = arith.constant 0 : i32
      %dma_start3A_143 = tpu.memref_slice %arg8[%mul3A_0, %dma_start3A_142] : memref<10240x16xf32, #tpu.memory_space<hbm>> -> memref<640x16xf32, #tpu.memory_space<hbm>>
      tpu.enqueue_dma source(%dma_start3A_143 : memref<640x16xf32, #tpu.memory_space<hbm>>) target(%dma_start3A_141 : memref<640x16xf32, #tpu.memory_space<vmem_shared>>) target_semaphore(%run_scoped3A_140 : memref<!tpu.dma_semaphore, #tpu.memory_space<semaphore_mem>>)
      %dma_wait3A_144 = arith.constant 0 : i32
      %dma_wait3A_145 = tpu.memref_slice %arg19[%mul3A_0, %dma_wait3A_144] : memref<10240x16xf32, #tpu.memory_space<vmem_shared>> -> memref<640x16xf32, #tpu.memory_space<vmem_shared>>
      %dma_wait3A_146 = arith.constant 0 : i32
      %dma_wait3A_147 = tpu.memref_slice %arg8[%mul3A_0, %dma_wait3A_146] : memref<10240x16xf32, #tpu.memory_space<hbm>> -> memref<640x16xf32, #tpu.memory_space<hbm>>
      tpu.wait_dma2 semaphore(%run_scoped3A_140 : memref<!tpu.dma_semaphore, #tpu.memory_space<semaphore_mem>>) src(%dma_wait3A_147 : memref<640x16xf32, #tpu.memory_space<hbm>>) dst(%dma_wait3A_145 : memref<640x16xf32, #tpu.memory_space<vmem_shared>>)
      tpu.yield
    }) : () -> ()
    %get3A = arith.constant 0 : index
    %get3A_7 = tpu.vector_load %arg13[%get3A] {strides = array<i32>} : memref<16xf32, #tpu.memory_space<vmem>>, vector<16xf32>,
    %get3A_8 = vector.shape_cast %get3A_7 : vector<16xf32> to vector<16xf32>
    %scan3A = arith.constant 0 : i32
    %scan3A_9 = arith.constant 0 : i32
    %scan3A_10 = arith.constant 640 : i32
    %scan3A_11 = arith.addi %scan3A_9, %scan3A_10 : i32
    %scan3A_12 = arith.constant 1 : i32
    scf.for %scan3A_140 = %scan3A_9 to %scan3A_11 step %scan3A_12  : i32 {
      %get3A_141 = arith.index_cast %scan3A_140 : i32 to index
      %get3A_142 = arith.constant 0 : index
      %get3A_143 = tpu.vector_load %arg14[%get3A_141, %get3A_142] {strides = array<i32>} : memref<640x16xf32, #tpu.memory_space<vmem>>, vector<1x16xf32>,
      %get3A_144 = vector.shape_cast %get3A_143 : vector<1x16xf32> to vector<16xf32>
      %get3A_145 = arith.index_cast %scan3A_140 : i32 to index
      %get3A_146 = arith.constant 0 : index
      %get3A_147 = tpu.vector_load %arg15[%get3A_145, %get3A_146] {strides = array<i32>} : memref<640x16xf32, #tpu.memory_space<vmem>>, vector<1x16xf32>,
      %get3A_148 = vector.shape_cast %get3A_147 : vector<1x16xf32> to vector<16xf32>
      %get3A_149 = arith.index_cast %scan3A_140 : i32 to index
      %get3A_150 = arith.constant 0 : index
      %get3A_151 = tpu.vector_load %arg16[%get3A_149, %get3A_150] {strides = array<i32>} : memref<640x16xf32, #tpu.memory_space<vmem>>, vector<1x16xf32>,
      %get3A_152 = vector.shape_cast %get3A_151 : vector<1x16xf32> to vector<16xf32>
      %add3A_153 = arith.addf %get3A_148, %get3A_152 : vector<16xf32>
      %get3A_154 = arith.index_cast %scan3A_140 : i32 to index
      %get3A_155 = arith.constant 0 : index
      %get3A_156 = tpu.vector_load %arg17[%get3A_154, %get3A_155] {strides = array<i32>} : memref<640x16xf32, #tpu.memory_space<vmem>>, vector<1x16xf32>,
      %get3A_157 = vector.shape_cast %get3A_156 : vector<1x16xf32> to vector<16xf32>
      %add3A_158 = arith.addf %add3A_153, %get3A_157 : vector<16xf32>
      %mul3A_159 = arith.mulf %add3A_158, %get3A_144 : vector<16xf32>
      %add3A_160 = arith.addf %mul3A_159, %get3A_8 : vector<16xf32>
      %max3A = arith.constant 0.000000e+00 : f32
      %max3A_161 = vector.broadcast %max3A : f32 to vector<16xf32>
      %max3A_162 = arith.maximumf %add3A_160, %max3A_161 : vector<16xf32>
      %mul3A_163 = arith.mulf %max3A_162, %get3A_144 : vector<16xf32>
      %swap3A = arith.index_cast %scan3A_140 : i32 to index
      %swap3A_164 = arith.constant 0 : index
      %swap3A_165 = tpu.vector_load %arg15[%swap3A, %swap3A_164] {strides = array<i32>} : memref<640x16xf32, #tpu.memory_space<vmem>>, vector<1x16xf32>,
      %swap3A_166 = vector.shape_cast %swap3A_165 : vector<1x16xf32> to vector<16xf32>
      %swap3A_167 = vector.shape_cast %mul3A_163 : vector<16xf32> to vector<1x16xf32>
      tpu.vector_store %arg15[%swap3A, %swap3A_164], %swap3A_167 {strides = array<i32>} : memref<640x16xf32, #tpu.memory_space<vmem>>, vector<1x16xf32>,
    }
    %scan3A_13 = arith.constant 640 : i32
    "tpu.region"() ({
      %run_scoped3A_140 = tpu.sem_alloc : memref<!tpu.dma_semaphore, #tpu.memory_space<semaphore_mem>>
      %dma_start3A = arith.constant 0 : i32
      %dma_start3A_141 = tpu.memref_slice %arg10[%arg0, %mul3A_0, %dma_start3A] : memref<2x10240x16xf32, #tpu.memory_space<hbm>> -> memref<1x640x16xf32, #tpu.memory_space<hbm>>
      %dma_start3A_142 = tpu.memref_squeeze %dma_start3A_141 : memref<1x640x16xf32, #tpu.memory_space<hbm>> -> memref<640x16xf32, #tpu.memory_space<hbm>>
      %dma_start3A_143 = arith.constant 0 : i32
      %dma_start3A_144 = tpu.memref_slice %arg10[%arg0, %mul3A_0, %dma_start3A_143] : memref<2x10240x16xf32, #tpu.memory_space<hbm>> -> memref<1x640x16xf32, #tpu.memory_space<hbm>>
      %dma_start3A_145 = tpu.memref_squeeze %dma_start3A_144 : memref<1x640x16xf32, #tpu.memory_space<hbm>> -> memref<640x16xf32, #tpu.memory_space<hbm>>
      tpu.enqueue_dma source(%arg15 : memref<640x16xf32, #tpu.memory_space<vmem>>) target(%dma_start3A_145 : memref<640x16xf32, #tpu.memory_space<hbm>>) target_semaphore(%run_scoped3A_140 : memref<!tpu.dma_semaphore, #tpu.memory_space<semaphore_mem>>)
      %dma_wait3A_146 = arith.constant 0 : i32
      %dma_wait3A_147 = tpu.memref_slice %arg10[%arg0, %mul3A_0, %dma_wait3A_146] : memref<2x10240x16xf32, #tpu.memory_space<hbm>> -> memref<1x640x16xf32, #tpu.memory_space<hbm>>
      %dma_wait3A_148 = tpu.memref_squeeze %dma_wait3A_147 : memref<1x640x16xf32, #tpu.memory_space<hbm>> -> memref<640x16xf32, #tpu.memory_space<hbm>>
      %dma_wait3A_149 = arith.constant 0 : i32
      %dma_wait3A_150 = tpu.memref_slice %arg10[%arg0, %mul3A_0, %dma_wait3A_149] : memref<2x10240x16xf32, #tpu.memory_space<hbm>> -> memref<1x640x16xf32, #tpu.memory_space<hbm>>
      %dma_wait3A_151 = tpu.memref_squeeze %dma_wait3A_150 : memref<1x640x16xf32, #tpu.memory_space<hbm>> -> memref<640x16xf32, #tpu.memory_space<hbm>>
      tpu.wait_dma2 semaphore(%run_scoped3A_140 : memref<!tpu.dma_semaphore, #tpu.memory_space<semaphore_mem>>) src(%arg15 : memref<640x16xf32, #tpu.memory_space<vmem>>) dst(%dma_wait3A_151 : memref<640x16xf32, #tpu.memory_space<hbm>>)
      tpu.yield
    }) : () -> ()
    %barrier3A = arith.constant 0 : index
    tpu.barrier barrier_id(%barrier3A)
    %scan3A_14 = arith.constant 0 : i32
    %scan3A_15 = arith.constant 0 : i32
    %scan3A_16 = arith.constant 84 : i32
    %scan3A_17 = arith.addi %scan3A_15, %scan3A_16 : i32
    %scan3A_18 = arith.constant 1 : i32
    scf.for %scan3A_140 = %scan3A_15 to %scan3A_17 step %scan3A_18  : i32 {
      %lt3A = arith.constant 80 : i32
      %lt3A_141 = arith.cmpi slt, %scan3A_140, %lt3A : i32
      %convert_element_type3A = arith.extui %lt3A_141 : i1 to i32
      %cond3A = arith.constant 0 : i32
      %cond3A_142 = arith.cmpi ne, %convert_element_type3A, %cond3A : i32
      scf.if %cond3A_142 {
        %rem3A = arith.constant 8 : i32
        %rem3A_148 = arith.remsi %scan3A_140, %rem3A : i32
        %ge3A_149 = arith.constant 8 : i32
        %ge3A_150 = arith.cmpi sge, %scan3A_140, %ge3A_149 : i32
        %convert_element_type3A_151 = arith.extui %ge3A_150 : i1 to i32
        %cond3A_152 = arith.constant 0 : i32
        %cond3A_153 = arith.cmpi ne, %convert_element_type3A_151, %cond3A_152 : i32
        scf.if %cond3A_153 {
          %dma_wait3A_169 = arith.constant 0 : i32
          %dma_wait3A_170 = arith.constant 0 : i32
          %dma_wait3A_171 = arith.constant 0 : i32
          %dma_wait3A_172 = tpu.memref_slice %arg18[%rem3A_148, %dma_wait3A_170, %dma_wait3A_171] : memref<8x128x16xf32, #tpu.memory_space<vmem>> -> memref<1x128x16xf32, #tpu.memory_space<vmem>>
          %dma_wait3A_173 = tpu.memref_squeeze %dma_wait3A_172 : memref<1x128x16xf32, #tpu.memory_space<vmem>> -> memref<128x16xf32, #tpu.memory_space<vmem>>
          %dma_wait3A_174 = arith.constant 0 : i32
          %dma_wait3A_175 = tpu.memref_slice %arg11[%dma_wait3A_169, %dma_wait3A_174] : memref<80x128xi32, #tpu.memory_space<vmem>> -> memref<1x128xi32, #tpu.memory_space<vmem>>
          %dma_wait3A_176 = tpu.memref_squeeze %dma_wait3A_175 : memref<1x128xi32, #tpu.memory_space<vmem>> -> memref<128xi32, #tpu.memory_space<vmem>>
          %dma_wait3A_177 = arith.constant 0 : i32
          %dma_wait3A_178 = arith.constant 0 : i32
          %dma_wait3A_179 = tpu.memref_slice %arg19[%dma_wait3A_177, %dma_wait3A_178] : memref<10240x16xf32, #tpu.memory_space<vmem_shared>> -> memref<10240x16xf32, #tpu.memory_space<vmem_shared>>
          %dma_wait3A_180 = tpu.memref_slice %arg21[%rem3A_148] : memref<8x!tpu.dma_semaphore, #tpu.memory_space<semaphore_mem>> -> memref<1x!tpu.dma_semaphore, #tpu.memory_space<semaphore_mem>>
          %dma_wait3A_181 = tpu.memref_squeeze %dma_wait3A_180 : memref<1x!tpu.dma_semaphore, #tpu.memory_space<semaphore_mem>> -> memref<!tpu.dma_semaphore, #tpu.memory_space<semaphore_mem>>
          tpu.wait_indirect_dma semaphore(%dma_wait3A_181 : memref<!tpu.dma_semaphore, #tpu.memory_space<semaphore_mem>>) src(%dma_wait3A_173 : memref<128x16xf32, #tpu.memory_space<vmem>>) dst(%dma_wait3A_179 : memref<10240x16xf32, #tpu.memory_space<vmem_shared>>)
        } else {
        }
        %dma_start3A = arith.constant 0 : i32
        %dma_start3A_154 = arith.constant 0 : i32
        %dma_start3A_155 = tpu.memref_slice %arg18[%rem3A_148, %dma_start3A, %dma_start3A_154] : memref<8x128x16xf32, #tpu.memory_space<vmem>> -> memref<1x128x16xf32, #tpu.memory_space<vmem>>
        %dma_start3A_156 = tpu.memref_squeeze %dma_start3A_155 : memref<1x128x16xf32, #tpu.memory_space<vmem>> -> memref<128x16xf32, #tpu.memory_space<vmem>>
        %dma_start3A_157 = arith.constant 0 : i32
        %dma_start3A_158 = tpu.memref_slice %arg11[%scan3A_140, %dma_start3A_157] : memref<80x128xi32, #tpu.memory_space<vmem>> -> memref<1x128xi32, #tpu.memory_space<vmem>>
        %dma_start3A_159 = tpu.memref_squeeze %dma_start3A_158 : memref<1x128xi32, #tpu.memory_space<vmem>> -> memref<128xi32, #tpu.memory_space<vmem>>
        %dma_start3A_160 = arith.constant 0 : i32
        %dma_start3A_161 = arith.constant 0 : i32
        %dma_start3A_162 = tpu.memref_slice %arg10[%arg0, %dma_start3A_160, %dma_start3A_161] : memref<2x10240x16xf32, #tpu.memory_space<hbm>> -> memref<1x10240x16xf32, #tpu.memory_space<hbm>>
        %dma_start3A_163 = tpu.memref_squeeze %dma_start3A_162 : memref<1x10240x16xf32, #tpu.memory_space<hbm>> -> memref<10240x16xf32, #tpu.memory_space<hbm>>
        %dma_start3A_164 = arith.constant 0 : i32
        %dma_start3A_165 = arith.constant 0 : i32
        %dma_start3A_166 = tpu.memref_slice %dma_start3A_163[%dma_start3A_164, %dma_start3A_165] : memref<10240x16xf32, #tpu.memory_space<hbm>> -> memref<10240x16xf32, #tpu.memory_space<hbm>>
        %dma_start3A_167 = tpu.memref_slice %arg20[%rem3A_148] : memref<8x!tpu.dma_semaphore, #tpu.memory_space<semaphore_mem>> -> memref<1x!tpu.dma_semaphore, #tpu.memory_space<semaphore_mem>>
        %dma_start3A_168 = tpu.memref_squeeze %dma_start3A_167 : memref<1x!tpu.dma_semaphore, #tpu.memory_space<semaphore_mem>> -> memref<!tpu.dma_semaphore, #tpu.memory_space<semaphore_mem>>
        tpu.enqueue_indirect_dma source(%dma_start3A_166 : memref<10240x16xf32, #tpu.memory_space<hbm>>) target(%dma_start3A_156 : memref<128x16xf32, #tpu.memory_space<vmem>>) offsets(%dma_start3A_159 : memref<128xi32, #tpu.memory_space<vmem>>) semaphore(%dma_start3A_168 : memref<!tpu.dma_semaphore, #tpu.memory_space<semaphore_mem>>)
      } else {
      }
      %sub3A = arith.constant 4 : i32
      %sub3A_143 = arith.subi %scan3A_140, %sub3A : i32
      %ge3A = arith.constant 0 : i32
      %ge3A_144 = arith.cmpi sge, %sub3A_143, %ge3A : i32
      %convert_element_type3A_145 = arith.extui %ge3A_144 : i1 to i32
      %cond3A_146 = arith.constant 0 : i32
      %cond3A_147 = arith.cmpi ne, %convert_element_type3A_145, %cond3A_146 : i32
      scf.if %cond3A_147 {
        %rem3A = arith.constant 8 : i32
        %rem3A_148 = arith.remsi %sub3A_143, %rem3A : i32
        %dma_wait3A_149 = arith.constant 0 : i32
        %dma_wait3A_150 = arith.constant 0 : i32
        %dma_wait3A_151 = tpu.memref_slice %arg18[%rem3A_148, %dma_wait3A_149, %dma_wait3A_150] : memref<8x128x16xf32, #tpu.memory_space<vmem>> -> memref<1x128x16xf32, #tpu.memory_space<vmem>>
        %dma_wait3A_152 = tpu.memref_squeeze %dma_wait3A_151 : memref<1x128x16xf32, #tpu.memory_space<vmem>> -> memref<128x16xf32, #tpu.memory_space<vmem>>
        %dma_wait3A_153 = arith.constant 0 : i32
        %dma_wait3A_154 = tpu.memref_slice %arg11[%sub3A_143, %dma_wait3A_153] : memref<80x128xi32, #tpu.memory_space<vmem>> -> memref<1x128xi32, #tpu.memory_space<vmem>>
        %dma_wait3A_155 = tpu.memref_squeeze %dma_wait3A_154 : memref<1x128xi32, #tpu.memory_space<vmem>> -> memref<128xi32, #tpu.memory_space<vmem>>
        %dma_wait3A_156 = arith.constant 0 : i32
        %dma_wait3A_157 = arith.constant 0 : i32
        %dma_wait3A_158 = tpu.memref_slice %arg10[%arg0, %dma_wait3A_156, %dma_wait3A_157] : memref<2x10240x16xf32, #tpu.memory_space<hbm>> -> memref<1x10240x16xf32, #tpu.memory_space<hbm>>
        %dma_wait3A_159 = tpu.memref_squeeze %dma_wait3A_158 : memref<1x10240x16xf32, #tpu.memory_space<hbm>> -> memref<10240x16xf32, #tpu.memory_space<hbm>>
        %dma_wait3A_160 = arith.constant 0 : i32
        %dma_wait3A_161 = arith.constant 0 : i32
        %dma_wait3A_162 = tpu.memref_slice %dma_wait3A_159[%dma_wait3A_160, %dma_wait3A_161] : memref<10240x16xf32, #tpu.memory_space<hbm>> -> memref<10240x16xf32, #tpu.memory_space<hbm>>
        %dma_wait3A_163 = tpu.memref_slice %arg20[%rem3A_148] : memref<8x!tpu.dma_semaphore, #tpu.memory_space<semaphore_mem>> -> memref<1x!tpu.dma_semaphore, #tpu.memory_space<semaphore_mem>>
        %dma_wait3A_164 = tpu.memref_squeeze %dma_wait3A_163 : memref<1x!tpu.dma_semaphore, #tpu.memory_space<semaphore_mem>> -> memref<!tpu.dma_semaphore, #tpu.memory_space<semaphore_mem>>
        tpu.wait_indirect_dma semaphore(%dma_wait3A_164 : memref<!tpu.dma_semaphore, #tpu.memory_space<semaphore_mem>>) src(%dma_wait3A_162 : memref<10240x16xf32, #tpu.memory_space<hbm>>) dst(%dma_wait3A_152 : memref<128x16xf32, #tpu.memory_space<vmem>>)
        %dma_start3A = arith.constant 0 : i32
        %dma_start3A_165 = arith.constant 0 : i32
        %dma_start3A_166 = tpu.memref_slice %arg18[%rem3A_148, %dma_start3A, %dma_start3A_165] : memref<8x128x16xf32, #tpu.memory_space<vmem>> -> memref<1x128x16xf32, #tpu.memory_space<vmem>>
        %dma_start3A_167 = tpu.memref_squeeze %dma_start3A_166 : memref<1x128x16xf32, #tpu.memory_space<vmem>> -> memref<128x16xf32, #tpu.memory_space<vmem>>
        %dma_start3A_168 = arith.constant 0 : i32
        %dma_start3A_169 = tpu.memref_slice %arg12[%sub3A_143, %dma_start3A_168] : memref<80x128xi32, #tpu.memory_space<vmem>> -> memref<1x128xi32, #tpu.memory_space<vmem>>
        %dma_start3A_170 = tpu.memref_squeeze %dma_start3A_169 : memref<1x128xi32, #tpu.memory_space<vmem>> -> memref<128xi32, #tpu.memory_space<vmem>>
        %dma_start3A_171 = arith.constant 0 : i32
        %dma_start3A_172 = arith.constant 0 : i32
        %dma_start3A_173 = tpu.memref_slice %arg19[%dma_start3A_171, %dma_start3A_172] : memref<10240x16xf32, #tpu.memory_space<vmem_shared>> -> memref<10240x16xf32, #tpu.memory_space<vmem_shared>>
        %dma_start3A_174 = tpu.memref_slice %arg21[%rem3A_148] : memref<8x!tpu.dma_semaphore, #tpu.memory_space<semaphore_mem>> -> memref<1x!tpu.dma_semaphore, #tpu.memory_space<semaphore_mem>>
        %dma_start3A_175 = tpu.memref_squeeze %dma_start3A_174 : memref<1x!tpu.dma_semaphore, #tpu.memory_space<semaphore_mem>> -> memref<!tpu.dma_semaphore, #tpu.memory_space<semaphore_mem>>
        tpu.enqueue_indirect_dma source(%dma_start3A_167 : memref<128x16xf32, #tpu.memory_space<vmem>>) target(%dma_start3A_173 : memref<10240x16xf32, #tpu.memory_space<vmem_shared>>) offsets(%dma_start3A_170 : memref<128xi32, #tpu.memory_space<vmem>>) semaphore(%dma_start3A_175 : memref<!tpu.dma_semaphore, #tpu.memory_space<semaphore_mem>>) {add = true}
      } else {
      }
    }
    %scan3A_19 = arith.constant 84 : i32
    %dma_wait3A = arith.constant 0 : i32
    %dma_wait3A_20 = arith.constant 0 : i32
    %dma_wait3A_21 = arith.constant 0 : i32
    %dma_wait3A_22 = arith.constant 0 : i32
    %dma_wait3A_23 = arith.constant 0 : i32
    %dma_wait3A_24 = tpu.memref_slice %arg18[%dma_wait3A, %dma_wait3A_22, %dma_wait3A_23] : memref<8x128x16xf32, #tpu.memory_space<vmem>> -> memref<1x128x16xf32, #tpu.memory_space<vmem>>
    %dma_wait3A_25 = tpu.memref_squeeze %dma_wait3A_24 : memref<1x128x16xf32, #tpu.memory_space<vmem>> -> memref<128x16xf32, #tpu.memory_space<vmem>>
    %dma_wait3A_26 = arith.constant 0 : i32
    %dma_wait3A_27 = tpu.memref_slice %arg11[%dma_wait3A_20, %dma_wait3A_26] : memref<80x128xi32, #tpu.memory_space<vmem>> -> memref<1x128xi32, #tpu.memory_space<vmem>>
    %dma_wait3A_28 = tpu.memref_squeeze %dma_wait3A_27 : memref<1x128xi32, #tpu.memory_space<vmem>> -> memref<128xi32, #tpu.memory_space<vmem>>
    %dma_wait3A_29 = arith.constant 0 : i32
    %dma_wait3A_30 = arith.constant 0 : i32
    %dma_wait3A_31 = tpu.memref_slice %arg19[%dma_wait3A_29, %dma_wait3A_30] : memref<10240x16xf32, #tpu.memory_space<vmem_shared>> -> memref<10240x16xf32, #tpu.memory_space<vmem_shared>>
    %dma_wait3A_32 = tpu.memref_slice %arg21[%dma_wait3A_21] : memref<8x!tpu.dma_semaphore, #tpu.memory_space<semaphore_mem>> -> memref<1x!tpu.dma_semaphore, #tpu.memory_space<semaphore_mem>>
    %dma_wait3A_33 = tpu.memref_squeeze %dma_wait3A_32 : memref<1x!tpu.dma_semaphore, #tpu.memory_space<semaphore_mem>> -> memref<!tpu.dma_semaphore, #tpu.memory_space<semaphore_mem>>
    tpu.wait_indirect_dma semaphore(%dma_wait3A_33 : memref<!tpu.dma_semaphore, #tpu.memory_space<semaphore_mem>>) src(%dma_wait3A_25 : memref<128x16xf32, #tpu.memory_space<vmem>>) dst(%dma_wait3A_31 : memref<10240x16xf32, #tpu.memory_space<vmem_shared>>)
    %dma_wait3A_34 = arith.constant 1 : i32
    %dma_wait3A_35 = arith.constant 0 : i32
    %dma_wait3A_36 = arith.constant 1 : i32
    %dma_wait3A_37 = arith.constant 0 : i32
    %dma_wait3A_38 = arith.constant 0 : i32
    %dma_wait3A_39 = tpu.memref_slice %arg18[%dma_wait3A_34, %dma_wait3A_37, %dma_wait3A_38] : memref<8x128x16xf32, #tpu.memory_space<vmem>> -> memref<1x128x16xf32, #tpu.memory_space<vmem>>
    %dma_wait3A_40 = tpu.memref_squeeze %dma_wait3A_39 : memref<1x128x16xf32, #tpu.memory_space<vmem>> -> memref<128x16xf32, #tpu.memory_space<vmem>>
    %dma_wait3A_41 = arith.constant 0 : i32
    %dma_wait3A_42 = tpu.memref_slice %arg11[%dma_wait3A_35, %dma_wait3A_41] : memref<80x128xi32, #tpu.memory_space<vmem>> -> memref<1x128xi32, #tpu.memory_space<vmem>>
    %dma_wait3A_43 = tpu.memref_squeeze %dma_wait3A_42 : memref<1x128xi32, #tpu.memory_space<vmem>> -> memref<128xi32, #tpu.memory_space<vmem>>
    %dma_wait3A_44 = arith.constant 0 : i32
    %dma_wait3A_45 = arith.constant 0 : i32
    %dma_wait3A_46 = tpu.memref_slice %arg19[%dma_wait3A_44, %dma_wait3A_45] : memref<10240x16xf32, #tpu.memory_space<vmem_shared>> -> memref<10240x16xf32, #tpu.memory_space<vmem_shared>>
    %dma_wait3A_47 = tpu.memref_slice %arg21[%dma_wait3A_36] : memref<8x!tpu.dma_semaphore, #tpu.memory_space<semaphore_mem>> -> memref<1x!tpu.dma_semaphore, #tpu.memory_space<semaphore_mem>>
    %dma_wait3A_48 = tpu.memref_squeeze %dma_wait3A_47 : memref<1x!tpu.dma_semaphore, #tpu.memory_space<semaphore_mem>> -> memref<!tpu.dma_semaphore, #tpu.memory_space<semaphore_mem>>
    tpu.wait_indirect_dma semaphore(%dma_wait3A_48 : memref<!tpu.dma_semaphore, #tpu.memory_space<semaphore_mem>>) src(%dma_wait3A_40 : memref<128x16xf32, #tpu.memory_space<vmem>>) dst(%dma_wait3A_46 : memref<10240x16xf32, #tpu.memory_space<vmem_shared>>)
    %dma_wait3A_49 = arith.constant 2 : i32
    %dma_wait3A_50 = arith.constant 0 : i32
    %dma_wait3A_51 = arith.constant 2 : i32
    %dma_wait3A_52 = arith.constant 0 : i32
    %dma_wait3A_53 = arith.constant 0 : i32
    %dma_wait3A_54 = tpu.memref_slice %arg18[%dma_wait3A_49, %dma_wait3A_52, %dma_wait3A_53] : memref<8x128x16xf32, #tpu.memory_space<vmem>> -> memref<1x128x16xf32, #tpu.memory_space<vmem>>
    %dma_wait3A_55 = tpu.memref_squeeze %dma_wait3A_54 : memref<1x128x16xf32, #tpu.memory_space<vmem>> -> memref<128x16xf32, #tpu.memory_space<vmem>>
    %dma_wait3A_56 = arith.constant 0 : i32
    %dma_wait3A_57 = tpu.memref_slice %arg11[%dma_wait3A_50, %dma_wait3A_56] : memref<80x128xi32, #tpu.memory_space<vmem>> -> memref<1x128xi32, #tpu.memory_space<vmem>>
    %dma_wait3A_58 = tpu.memref_squeeze %dma_wait3A_57 : memref<1x128xi32, #tpu.memory_space<vmem>> -> memref<128xi32, #tpu.memory_space<vmem>>
    %dma_wait3A_59 = arith.constant 0 : i32
    %dma_wait3A_60 = arith.constant 0 : i32
    %dma_wait3A_61 = tpu.memref_slice %arg19[%dma_wait3A_59, %dma_wait3A_60] : memref<10240x16xf32, #tpu.memory_space<vmem_shared>> -> memref<10240x16xf32, #tpu.memory_space<vmem_shared>>
    %dma_wait3A_62 = tpu.memref_slice %arg21[%dma_wait3A_51] : memref<8x!tpu.dma_semaphore, #tpu.memory_space<semaphore_mem>> -> memref<1x!tpu.dma_semaphore, #tpu.memory_space<semaphore_mem>>
    %dma_wait3A_63 = tpu.memref_squeeze %dma_wait3A_62 : memref<1x!tpu.dma_semaphore, #tpu.memory_space<semaphore_mem>> -> memref<!tpu.dma_semaphore, #tpu.memory_space<semaphore_mem>>
    tpu.wait_indirect_dma semaphore(%dma_wait3A_63 : memref<!tpu.dma_semaphore, #tpu.memory_space<semaphore_mem>>) src(%dma_wait3A_55 : memref<128x16xf32, #tpu.memory_space<vmem>>) dst(%dma_wait3A_61 : memref<10240x16xf32, #tpu.memory_space<vmem_shared>>)
    %dma_wait3A_64 = arith.constant 3 : i32
    %dma_wait3A_65 = arith.constant 0 : i32
    %dma_wait3A_66 = arith.constant 3 : i32
    %dma_wait3A_67 = arith.constant 0 : i32
    %dma_wait3A_68 = arith.constant 0 : i32
    %dma_wait3A_69 = tpu.memref_slice %arg18[%dma_wait3A_64, %dma_wait3A_67, %dma_wait3A_68] : memref<8x128x16xf32, #tpu.memory_space<vmem>> -> memref<1x128x16xf32, #tpu.memory_space<vmem>>
    %dma_wait3A_70 = tpu.memref_squeeze %dma_wait3A_69 : memref<1x128x16xf32, #tpu.memory_space<vmem>> -> memref<128x16xf32, #tpu.memory_space<vmem>>
    %dma_wait3A_71 = arith.constant 0 : i32
    %dma_wait3A_72 = tpu.memref_slice %arg11[%dma_wait3A_65, %dma_wait3A_71] : memref<80x128xi32, #tpu.memory_space<vmem>> -> memref<1x128xi32, #tpu.memory_space<vmem>>
    %dma_wait3A_73 = tpu.memref_squeeze %dma_wait3A_72 : memref<1x128xi32, #tpu.memory_space<vmem>> -> memref<128xi32, #tpu.memory_space<vmem>>
    %dma_wait3A_74 = arith.constant 0 : i32
    %dma_wait3A_75 = arith.constant 0 : i32
    %dma_wait3A_76 = tpu.memref_slice %arg19[%dma_wait3A_74, %dma_wait3A_75] : memref<10240x16xf32, #tpu.memory_space<vmem_shared>> -> memref<10240x16xf32, #tpu.memory_space<vmem_shared>>
    %dma_wait3A_77 = tpu.memref_slice %arg21[%dma_wait3A_66] : memref<8x!tpu.dma_semaphore, #tpu.memory_space<semaphore_mem>> -> memref<1x!tpu.dma_semaphore, #tpu.memory_space<semaphore_mem>>
    %dma_wait3A_78 = tpu.memref_squeeze %dma_wait3A_77 : memref<1x!tpu.dma_semaphore, #tpu.memory_space<semaphore_mem>> -> memref<!tpu.dma_semaphore, #tpu.memory_space<semaphore_mem>>
    tpu.wait_indirect_dma semaphore(%dma_wait3A_78 : memref<!tpu.dma_semaphore, #tpu.memory_space<semaphore_mem>>) src(%dma_wait3A_70 : memref<128x16xf32, #tpu.memory_space<vmem>>) dst(%dma_wait3A_76 : memref<10240x16xf32, #tpu.memory_space<vmem_shared>>)
    %dma_wait3A_79 = arith.constant 4 : i32
    %dma_wait3A_80 = arith.constant 0 : i32
    %dma_wait3A_81 = arith.constant 4 : i32
    %dma_wait3A_82 = arith.constant 0 : i32
    %dma_wait3A_83 = arith.constant 0 : i32
    %dma_wait3A_84 = tpu.memref_slice %arg18[%dma_wait3A_79, %dma_wait3A_82, %dma_wait3A_83] : memref<8x128x16xf32, #tpu.memory_space<vmem>> -> memref<1x128x16xf32, #tpu.memory_space<vmem>>
    %dma_wait3A_85 = tpu.memref_squeeze %dma_wait3A_84 : memref<1x128x16xf32, #tpu.memory_space<vmem>> -> memref<128x16xf32, #tpu.memory_space<vmem>>
    %dma_wait3A_86 = arith.constant 0 : i32
    %dma_wait3A_87 = tpu.memref_slice %arg11[%dma_wait3A_80, %dma_wait3A_86] : memref<80x128xi32, #tpu.memory_space<vmem>> -> memref<1x128xi32, #tpu.memory_space<vmem>>
    %dma_wait3A_88 = tpu.memref_squeeze %dma_wait3A_87 : memref<1x128xi32, #tpu.memory_space<vmem>> -> memref<128xi32, #tpu.memory_space<vmem>>
    %dma_wait3A_89 = arith.constant 0 : i32
    %dma_wait3A_90 = arith.constant 0 : i32
    %dma_wait3A_91 = tpu.memref_slice %arg19[%dma_wait3A_89, %dma_wait3A_90] : memref<10240x16xf32, #tpu.memory_space<vmem_shared>> -> memref<10240x16xf32, #tpu.memory_space<vmem_shared>>
    %dma_wait3A_92 = tpu.memref_slice %arg21[%dma_wait3A_81] : memref<8x!tpu.dma_semaphore, #tpu.memory_space<semaphore_mem>> -> memref<1x!tpu.dma_semaphore, #tpu.memory_space<semaphore_mem>>
    %dma_wait3A_93 = tpu.memref_squeeze %dma_wait3A_92 : memref<1x!tpu.dma_semaphore, #tpu.memory_space<semaphore_mem>> -> memref<!tpu.dma_semaphore, #tpu.memory_space<semaphore_mem>>
    tpu.wait_indirect_dma semaphore(%dma_wait3A_93 : memref<!tpu.dma_semaphore, #tpu.memory_space<semaphore_mem>>) src(%dma_wait3A_85 : memref<128x16xf32, #tpu.memory_space<vmem>>) dst(%dma_wait3A_91 : memref<10240x16xf32, #tpu.memory_space<vmem_shared>>)
    %dma_wait3A_94 = arith.constant 5 : i32
    %dma_wait3A_95 = arith.constant 0 : i32
    %dma_wait3A_96 = arith.constant 5 : i32
    %dma_wait3A_97 = arith.constant 0 : i32
    %dma_wait3A_98 = arith.constant 0 : i32
    %dma_wait3A_99 = tpu.memref_slice %arg18[%dma_wait3A_94, %dma_wait3A_97, %dma_wait3A_98] : memref<8x128x16xf32, #tpu.memory_space<vmem>> -> memref<1x128x16xf32, #tpu.memory_space<vmem>>
    %dma_wait3A_100 = tpu.memref_squeeze %dma_wait3A_99 : memref<1x128x16xf32, #tpu.memory_space<vmem>> -> memref<128x16xf32, #tpu.memory_space<vmem>>
    %dma_wait3A_101 = arith.constant 0 : i32
    %dma_wait3A_102 = tpu.memref_slice %arg11[%dma_wait3A_95, %dma_wait3A_101] : memref<80x128xi32, #tpu.memory_space<vmem>> -> memref<1x128xi32, #tpu.memory_space<vmem>>
    %dma_wait3A_103 = tpu.memref_squeeze %dma_wait3A_102 : memref<1x128xi32, #tpu.memory_space<vmem>> -> memref<128xi32, #tpu.memory_space<vmem>>
    %dma_wait3A_104 = arith.constant 0 : i32
    %dma_wait3A_105 = arith.constant 0 : i32
    %dma_wait3A_106 = tpu.memref_slice %arg19[%dma_wait3A_104, %dma_wait3A_105] : memref<10240x16xf32, #tpu.memory_space<vmem_shared>> -> memref<10240x16xf32, #tpu.memory_space<vmem_shared>>
    %dma_wait3A_107 = tpu.memref_slice %arg21[%dma_wait3A_96] : memref<8x!tpu.dma_semaphore, #tpu.memory_space<semaphore_mem>> -> memref<1x!tpu.dma_semaphore, #tpu.memory_space<semaphore_mem>>
    %dma_wait3A_108 = tpu.memref_squeeze %dma_wait3A_107 : memref<1x!tpu.dma_semaphore, #tpu.memory_space<semaphore_mem>> -> memref<!tpu.dma_semaphore, #tpu.memory_space<semaphore_mem>>
    tpu.wait_indirect_dma semaphore(%dma_wait3A_108 : memref<!tpu.dma_semaphore, #tpu.memory_space<semaphore_mem>>) src(%dma_wait3A_100 : memref<128x16xf32, #tpu.memory_space<vmem>>) dst(%dma_wait3A_106 : memref<10240x16xf32, #tpu.memory_space<vmem_shared>>)
    %dma_wait3A_109 = arith.constant 6 : i32
    %dma_wait3A_110 = arith.constant 0 : i32
    %dma_wait3A_111 = arith.constant 6 : i32
    %dma_wait3A_112 = arith.constant 0 : i32
    %dma_wait3A_113 = arith.constant 0 : i32
    %dma_wait3A_114 = tpu.memref_slice %arg18[%dma_wait3A_109, %dma_wait3A_112, %dma_wait3A_113] : memref<8x128x16xf32, #tpu.memory_space<vmem>> -> memref<1x128x16xf32, #tpu.memory_space<vmem>>
    %dma_wait3A_115 = tpu.memref_squeeze %dma_wait3A_114 : memref<1x128x16xf32, #tpu.memory_space<vmem>> -> memref<128x16xf32, #tpu.memory_space<vmem>>
    %dma_wait3A_116 = arith.constant 0 : i32
    %dma_wait3A_117 = tpu.memref_slice %arg11[%dma_wait3A_110, %dma_wait3A_116] : memref<80x128xi32, #tpu.memory_space<vmem>> -> memref<1x128xi32, #tpu.memory_space<vmem>>
    %dma_wait3A_118 = tpu.memref_squeeze %dma_wait3A_117 : memref<1x128xi32, #tpu.memory_space<vmem>> -> memref<128xi32, #tpu.memory_space<vmem>>
    %dma_wait3A_119 = arith.constant 0 : i32
    %dma_wait3A_120 = arith.constant 0 : i32
    %dma_wait3A_121 = tpu.memref_slice %arg19[%dma_wait3A_119, %dma_wait3A_120] : memref<10240x16xf32, #tpu.memory_space<vmem_shared>> -> memref<10240x16xf32, #tpu.memory_space<vmem_shared>>
    %dma_wait3A_122 = tpu.memref_slice %arg21[%dma_wait3A_111] : memref<8x!tpu.dma_semaphore, #tpu.memory_space<semaphore_mem>> -> memref<1x!tpu.dma_semaphore, #tpu.memory_space<semaphore_mem>>
    %dma_wait3A_123 = tpu.memref_squeeze %dma_wait3A_122 : memref<1x!tpu.dma_semaphore, #tpu.memory_space<semaphore_mem>> -> memref<!tpu.dma_semaphore, #tpu.memory_space<semaphore_mem>>
    tpu.wait_indirect_dma semaphore(%dma_wait3A_123 : memref<!tpu.dma_semaphore, #tpu.memory_space<semaphore_mem>>) src(%dma_wait3A_115 : memref<128x16xf32, #tpu.memory_space<vmem>>) dst(%dma_wait3A_121 : memref<10240x16xf32, #tpu.memory_space<vmem_shared>>)
    %dma_wait3A_124 = arith.constant 7 : i32
    %dma_wait3A_125 = arith.constant 0 : i32
    %dma_wait3A_126 = arith.constant 7 : i32
    %dma_wait3A_127 = arith.constant 0 : i32
    %dma_wait3A_128 = arith.constant 0 : i32
    %dma_wait3A_129 = tpu.memref_slice %arg18[%dma_wait3A_124, %dma_wait3A_127, %dma_wait3A_128] : memref<8x128x16xf32, #tpu.memory_space<vmem>> -> memref<1x128x16xf32, #tpu.memory_space<vmem>>
    %dma_wait3A_130 = tpu.memref_squeeze %dma_wait3A_129 : memref<1x128x16xf32, #tpu.memory_space<vmem>> -> memref<128x16xf32, #tpu.memory_space<vmem>>
    %dma_wait3A_131 = arith.constant 0 : i32
    %dma_wait3A_132 = tpu.memref_slice %arg11[%dma_wait3A_125, %dma_wait3A_131] : memref<80x128xi32, #tpu.memory_space<vmem>> -> memref<1x128xi32, #tpu.memory_space<vmem>>
    %dma_wait3A_133 = tpu.memref_squeeze %dma_wait3A_132 : memref<1x128xi32, #tpu.memory_space<vmem>> -> memref<128xi32, #tpu.memory_space<vmem>>
    %dma_wait3A_134 = arith.constant 0 : i32
    %dma_wait3A_135 = arith.constant 0 : i32
    %dma_wait3A_136 = tpu.memref_slice %arg19[%dma_wait3A_134, %dma_wait3A_135] : memref<10240x16xf32, #tpu.memory_space<vmem_shared>> -> memref<10240x16xf32, #tpu.memory_space<vmem_shared>>
    %dma_wait3A_137 = tpu.memref_slice %arg21[%dma_wait3A_126] : memref<8x!tpu.dma_semaphore, #tpu.memory_space<semaphore_mem>> -> memref<1x!tpu.dma_semaphore, #tpu.memory_space<semaphore_mem>>
    %dma_wait3A_138 = tpu.memref_squeeze %dma_wait3A_137 : memref<1x!tpu.dma_semaphore, #tpu.memory_space<semaphore_mem>> -> memref<!tpu.dma_semaphore, #tpu.memory_space<semaphore_mem>>
    tpu.wait_indirect_dma semaphore(%dma_wait3A_138 : memref<!tpu.dma_semaphore, #tpu.memory_space<semaphore_mem>>) src(%dma_wait3A_130 : memref<128x16xf32, #tpu.memory_space<vmem>>) dst(%dma_wait3A_136 : memref<10240x16xf32, #tpu.memory_space<vmem_shared>>)
    %barrier3A_139 = arith.constant 0 : index
    tpu.barrier barrier_id(%barrier3A_139)
    "tpu.region"() ({
      %run_scoped3A_140 = tpu.sem_alloc : memref<!tpu.dma_semaphore, #tpu.memory_space<semaphore_mem>>
      %dma_start3A = arith.constant 0 : i32
      %dma_start3A_141 = tpu.memref_slice %arg9[%arg0, %mul3A_0, %dma_start3A] : memref<2x10240x16xf32, #tpu.memory_space<hbm>> -> memref<1x640x16xf32, #tpu.memory_space<hbm>>
      %dma_start3A_142 = tpu.memref_squeeze %dma_start3A_141 : memref<1x640x16xf32, #tpu.memory_space<hbm>> -> memref<640x16xf32, #tpu.memory_space<hbm>>
      %dma_start3A_143 = arith.constant 0 : i32
      %dma_start3A_144 = tpu.memref_slice %arg19[%mul3A_0, %dma_start3A_143] : memref<10240x16xf32, #tpu.memory_space<vmem_shared>> -> memref<640x16xf32, #tpu.memory_space<vmem_shared>>
      tpu.enqueue_dma source(%dma_start3A_144 : memref<640x16xf32, #tpu.memory_space<vmem_shared>>) target(%dma_start3A_142 : memref<640x16xf32, #tpu.memory_space<hbm>>) target_semaphore(%run_scoped3A_140 : memref<!tpu.dma_semaphore, #tpu.memory_space<semaphore_mem>>)
      %dma_wait3A_145 = arith.constant 0 : i32
      %dma_wait3A_146 = tpu.memref_slice %arg9[%arg0, %mul3A_0, %dma_wait3A_145] : memref<2x10240x16xf32, #tpu.memory_space<hbm>> -> memref<1x640x16xf32, #tpu.memory_space<hbm>>
      %dma_wait3A_147 = tpu.memref_squeeze %dma_wait3A_146 : memref<1x640x16xf32, #tpu.memory_space<hbm>> -> memref<640x16xf32, #tpu.memory_space<hbm>>
      %dma_wait3A_148 = arith.constant 0 : i32
      %dma_wait3A_149 = tpu.memref_slice %arg19[%mul3A_0, %dma_wait3A_148] : memref<10240x16xf32, #tpu.memory_space<vmem_shared>> -> memref<640x16xf32, #tpu.memory_space<vmem_shared>>
      tpu.wait_dma2 semaphore(%run_scoped3A_140 : memref<!tpu.dma_semaphore, #tpu.memory_space<semaphore_mem>>) src(%dma_wait3A_149 : memref<640x16xf32, #tpu.memory_space<vmem_shared>>) dst(%dma_wait3A_147 : memref<640x16xf32, #tpu.memory_space<hbm>>)
      tpu.yield
    }) : () -> ()
    return
  }
}

#map = affine_map<(d0, d1) -> (0, 0, 0)>
#map1 = affine_map<(d0, d1) -> (0, 0)>
module attributes {stable_mosaic.version = 14 : i64} {
  func.func @launch_e(%arg0: i32, %arg1: i32, %arg2: memref<32x80x128xi32, #tpu.memory_space<hbm>>, %arg3: memref<32x80x128xi32, #tpu.memory_space<hbm>>, %arg4: memref<10240x16xf32, #tpu.memory_space<hbm>>, %arg5: memref<10240x16xf32, #tpu.memory_space<hbm>>, %arg6: memref<2x10240x16xf32, #tpu.memory_space<hbm>>, %arg7: memref<80x128xi32, #tpu.memory_space<vmem>>, %arg8: memref<80x128xi32, #tpu.memory_space<vmem>>, %arg9: memref<8x128x16xf32, #tpu.memory_space<vmem>>, %arg10: memref<10240x16xf32, #tpu.memory_space<vmem_shared>>, %arg11: memref<8x!tpu.dma_semaphore, #tpu.memory_space<semaphore_mem>>, %arg12: memref<8x!tpu.dma_semaphore, #tpu.memory_space<semaphore_mem>>) attributes {dimension_semantics = [#tpu.dimension_semantics<core_parallel>, #tpu.dimension_semantics<subcore_parallel>], iteration_bounds = array<i64: 2, 16>, scalar_prefetch = 0 : i64, scratch_operands = 6 : i64, tpu.core_type = #tpu.core_type<sc_vector_subcore>, window_params = [{transform_indices = #map}, {transform_indices = #map}, {transform_indices = #map1}, {transform_indices = #map1}, {transform_indices = #map}]} {
    %mul3A = arith.constant 640 : i32
    %mul3A_0 = arith.muli %arg1, %mul3A : i32
    %mul3A_1 = arith.constant 2 : i32
    %mul3A_2 = arith.muli %mul3A_1, %arg1 : i32
    %add3A = arith.addi %mul3A_2, %arg0 : i32
    "tpu.region"() ({
      %run_scoped3A = tpu.sem_alloc : memref<!tpu.dma_semaphore, #tpu.memory_space<semaphore_mem>>
      %dma_start3A = arith.constant 0 : i32
      %dma_start3A_131 = arith.constant 0 : i32
      %dma_start3A_132 = tpu.memref_slice %arg2[%add3A, %dma_start3A, %dma_start3A_131] : memref<32x80x128xi32, #tpu.memory_space<hbm>> -> memref<1x80x128xi32, #tpu.memory_space<hbm>>
      %dma_start3A_133 = tpu.memref_squeeze %dma_start3A_132 : memref<1x80x128xi32, #tpu.memory_space<hbm>> -> memref<80x128xi32, #tpu.memory_space<hbm>>
      %dma_start3A_134 = arith.constant 0 : i32
      %dma_start3A_135 = arith.constant 0 : i32
      %dma_start3A_136 = tpu.memref_slice %arg2[%add3A, %dma_start3A_134, %dma_start3A_135] : memref<32x80x128xi32, #tpu.memory_space<hbm>> -> memref<1x80x128xi32, #tpu.memory_space<hbm>>
      %dma_start3A_137 = tpu.memref_squeeze %dma_start3A_136 : memref<1x80x128xi32, #tpu.memory_space<hbm>> -> memref<80x128xi32, #tpu.memory_space<hbm>>
      tpu.enqueue_dma source(%dma_start3A_137 : memref<80x128xi32, #tpu.memory_space<hbm>>) target(%arg7 : memref<80x128xi32, #tpu.memory_space<vmem>>) target_semaphore(%run_scoped3A : memref<!tpu.dma_semaphore, #tpu.memory_space<semaphore_mem>>)
      %dma_wait3A_138 = arith.constant 0 : i32
      %dma_wait3A_139 = arith.constant 0 : i32
      %dma_wait3A_140 = tpu.memref_slice %arg2[%add3A, %dma_wait3A_138, %dma_wait3A_139] : memref<32x80x128xi32, #tpu.memory_space<hbm>> -> memref<1x80x128xi32, #tpu.memory_space<hbm>>
      %dma_wait3A_141 = tpu.memref_squeeze %dma_wait3A_140 : memref<1x80x128xi32, #tpu.memory_space<hbm>> -> memref<80x128xi32, #tpu.memory_space<hbm>>
      %dma_wait3A_142 = arith.constant 0 : i32
      %dma_wait3A_143 = arith.constant 0 : i32
      %dma_wait3A_144 = tpu.memref_slice %arg2[%add3A, %dma_wait3A_142, %dma_wait3A_143] : memref<32x80x128xi32, #tpu.memory_space<hbm>> -> memref<1x80x128xi32, #tpu.memory_space<hbm>>
      %dma_wait3A_145 = tpu.memref_squeeze %dma_wait3A_144 : memref<1x80x128xi32, #tpu.memory_space<hbm>> -> memref<80x128xi32, #tpu.memory_space<hbm>>
      tpu.wait_dma2 semaphore(%run_scoped3A : memref<!tpu.dma_semaphore, #tpu.memory_space<semaphore_mem>>) src(%dma_wait3A_145 : memref<80x128xi32, #tpu.memory_space<hbm>>) dst(%arg7 : memref<80x128xi32, #tpu.memory_space<vmem>>)
      tpu.yield
    }) : () -> ()
    %mul3A_3 = arith.constant 2 : i32
    %mul3A_4 = arith.muli %mul3A_3, %arg1 : i32
    %add3A_5 = arith.addi %mul3A_4, %arg0 : i32
    "tpu.region"() ({
      %run_scoped3A = tpu.sem_alloc : memref<!tpu.dma_semaphore, #tpu.memory_space<semaphore_mem>>
      %dma_start3A = arith.constant 0 : i32
      %dma_start3A_131 = arith.constant 0 : i32
      %dma_start3A_132 = tpu.memref_slice %arg3[%add3A_5, %dma_start3A, %dma_start3A_131] : memref<32x80x128xi32, #tpu.memory_space<hbm>> -> memref<1x80x128xi32, #tpu.memory_space<hbm>>
      %dma_start3A_133 = tpu.memref_squeeze %dma_start3A_132 : memref<1x80x128xi32, #tpu.memory_space<hbm>> -> memref<80x128xi32, #tpu.memory_space<hbm>>
      %dma_start3A_134 = arith.constant 0 : i32
      %dma_start3A_135 = arith.constant 0 : i32
      %dma_start3A_136 = tpu.memref_slice %arg3[%add3A_5, %dma_start3A_134, %dma_start3A_135] : memref<32x80x128xi32, #tpu.memory_space<hbm>> -> memref<1x80x128xi32, #tpu.memory_space<hbm>>
      %dma_start3A_137 = tpu.memref_squeeze %dma_start3A_136 : memref<1x80x128xi32, #tpu.memory_space<hbm>> -> memref<80x128xi32, #tpu.memory_space<hbm>>
      tpu.enqueue_dma source(%dma_start3A_137 : memref<80x128xi32, #tpu.memory_space<hbm>>) target(%arg8 : memref<80x128xi32, #tpu.memory_space<vmem>>) target_semaphore(%run_scoped3A : memref<!tpu.dma_semaphore, #tpu.memory_space<semaphore_mem>>)
      %dma_wait3A_138 = arith.constant 0 : i32
      %dma_wait3A_139 = arith.constant 0 : i32
      %dma_wait3A_140 = tpu.memref_slice %arg3[%add3A_5, %dma_wait3A_138, %dma_wait3A_139] : memref<32x80x128xi32, #tpu.memory_space<hbm>> -> memref<1x80x128xi32, #tpu.memory_space<hbm>>
      %dma_wait3A_141 = tpu.memref_squeeze %dma_wait3A_140 : memref<1x80x128xi32, #tpu.memory_space<hbm>> -> memref<80x128xi32, #tpu.memory_space<hbm>>
      %dma_wait3A_142 = arith.constant 0 : i32
      %dma_wait3A_143 = arith.constant 0 : i32
      %dma_wait3A_144 = tpu.memref_slice %arg3[%add3A_5, %dma_wait3A_142, %dma_wait3A_143] : memref<32x80x128xi32, #tpu.memory_space<hbm>> -> memref<1x80x128xi32, #tpu.memory_space<hbm>>
      %dma_wait3A_145 = tpu.memref_squeeze %dma_wait3A_144 : memref<1x80x128xi32, #tpu.memory_space<hbm>> -> memref<80x128xi32, #tpu.memory_space<hbm>>
      tpu.wait_dma2 semaphore(%run_scoped3A : memref<!tpu.dma_semaphore, #tpu.memory_space<semaphore_mem>>) src(%dma_wait3A_145 : memref<80x128xi32, #tpu.memory_space<hbm>>) dst(%arg8 : memref<80x128xi32, #tpu.memory_space<vmem>>)
      tpu.yield
    }) : () -> ()
    "tpu.region"() ({
      %run_scoped3A = tpu.sem_alloc : memref<!tpu.dma_semaphore, #tpu.memory_space<semaphore_mem>>
      %dma_start3A = arith.constant 0 : i32
      %dma_start3A_131 = tpu.memref_slice %arg10[%mul3A_0, %dma_start3A] : memref<10240x16xf32, #tpu.memory_space<vmem_shared>> -> memref<640x16xf32, #tpu.memory_space<vmem_shared>>
      %dma_start3A_132 = arith.constant 0 : i32
      %dma_start3A_133 = tpu.memref_slice %arg5[%mul3A_0, %dma_start3A_132] : memref<10240x16xf32, #tpu.memory_space<hbm>> -> memref<640x16xf32, #tpu.memory_space<hbm>>
      tpu.enqueue_dma source(%dma_start3A_133 : memref<640x16xf32, #tpu.memory_space<hbm>>) target(%dma_start3A_131 : memref<640x16xf32, #tpu.memory_space<vmem_shared>>) target_semaphore(%run_scoped3A : memref<!tpu.dma_semaphore, #tpu.memory_space<semaphore_mem>>)
      %dma_wait3A_134 = arith.constant 0 : i32
      %dma_wait3A_135 = tpu.memref_slice %arg10[%mul3A_0, %dma_wait3A_134] : memref<10240x16xf32, #tpu.memory_space<vmem_shared>> -> memref<640x16xf32, #tpu.memory_space<vmem_shared>>
      %dma_wait3A_136 = arith.constant 0 : i32
      %dma_wait3A_137 = tpu.memref_slice %arg5[%mul3A_0, %dma_wait3A_136] : memref<10240x16xf32, #tpu.memory_space<hbm>> -> memref<640x16xf32, #tpu.memory_space<hbm>>
      tpu.wait_dma2 semaphore(%run_scoped3A : memref<!tpu.dma_semaphore, #tpu.memory_space<semaphore_mem>>) src(%dma_wait3A_137 : memref<640x16xf32, #tpu.memory_space<hbm>>) dst(%dma_wait3A_135 : memref<640x16xf32, #tpu.memory_space<vmem_shared>>)
      tpu.yield
    }) : () -> ()
    %barrier3A = arith.constant 0 : index
    tpu.barrier barrier_id(%barrier3A)
    %scan3A = arith.constant 0 : i32
    %scan3A_6 = arith.constant 0 : i32
    %scan3A_7 = arith.constant 84 : i32
    %scan3A_8 = arith.addi %scan3A_6, %scan3A_7 : i32
    %scan3A_9 = arith.constant 1 : i32
    scf.for %scan3A_131 = %scan3A_6 to %scan3A_8 step %scan3A_9  : i32 {
      %lt3A = arith.constant 80 : i32
      %lt3A_132 = arith.cmpi slt, %scan3A_131, %lt3A : i32
      %convert_element_type3A = arith.extui %lt3A_132 : i1 to i32
      %cond3A = arith.constant 0 : i32
      %cond3A_133 = arith.cmpi ne, %convert_element_type3A, %cond3A : i32
      scf.if %cond3A_133 {
        %rem3A = arith.constant 8 : i32
        %rem3A_139 = arith.remsi %scan3A_131, %rem3A : i32
        %ge3A_140 = arith.constant 8 : i32
        %ge3A_141 = arith.cmpi sge, %scan3A_131, %ge3A_140 : i32
        %convert_element_type3A_142 = arith.extui %ge3A_141 : i1 to i32
        %cond3A_143 = arith.constant 0 : i32
        %cond3A_144 = arith.cmpi ne, %convert_element_type3A_142, %cond3A_143 : i32
        scf.if %cond3A_144 {
          %dma_wait3A_156 = arith.constant 0 : i32
          %dma_wait3A_157 = arith.constant 0 : i32
          %dma_wait3A_158 = arith.constant 0 : i32
          %dma_wait3A_159 = tpu.memref_slice %arg9[%rem3A_139, %dma_wait3A_157, %dma_wait3A_158] : memref<8x128x16xf32, #tpu.memory_space<vmem>> -> memref<1x128x16xf32, #tpu.memory_space<vmem>>
          %dma_wait3A_160 = tpu.memref_squeeze %dma_wait3A_159 : memref<1x128x16xf32, #tpu.memory_space<vmem>> -> memref<128x16xf32, #tpu.memory_space<vmem>>
          %dma_wait3A_161 = arith.constant 0 : i32
          %dma_wait3A_162 = tpu.memref_slice %arg7[%dma_wait3A_156, %dma_wait3A_161] : memref<80x128xi32, #tpu.memory_space<vmem>> -> memref<1x128xi32, #tpu.memory_space<vmem>>
          %dma_wait3A_163 = tpu.memref_squeeze %dma_wait3A_162 : memref<1x128xi32, #tpu.memory_space<vmem>> -> memref<128xi32, #tpu.memory_space<vmem>>
          %dma_wait3A_164 = arith.constant 0 : i32
          %dma_wait3A_165 = arith.constant 0 : i32
          %dma_wait3A_166 = tpu.memref_slice %arg10[%dma_wait3A_164, %dma_wait3A_165] : memref<10240x16xf32, #tpu.memory_space<vmem_shared>> -> memref<10240x16xf32, #tpu.memory_space<vmem_shared>>
          %dma_wait3A_167 = tpu.memref_slice %arg12[%rem3A_139] : memref<8x!tpu.dma_semaphore, #tpu.memory_space<semaphore_mem>> -> memref<1x!tpu.dma_semaphore, #tpu.memory_space<semaphore_mem>>
          %dma_wait3A_168 = tpu.memref_squeeze %dma_wait3A_167 : memref<1x!tpu.dma_semaphore, #tpu.memory_space<semaphore_mem>> -> memref<!tpu.dma_semaphore, #tpu.memory_space<semaphore_mem>>
          tpu.wait_indirect_dma semaphore(%dma_wait3A_168 : memref<!tpu.dma_semaphore, #tpu.memory_space<semaphore_mem>>) src(%dma_wait3A_160 : memref<128x16xf32, #tpu.memory_space<vmem>>) dst(%dma_wait3A_166 : memref<10240x16xf32, #tpu.memory_space<vmem_shared>>)
        } else {
        }
        %dma_start3A = arith.constant 0 : i32
        %dma_start3A_145 = arith.constant 0 : i32
        %dma_start3A_146 = tpu.memref_slice %arg9[%rem3A_139, %dma_start3A, %dma_start3A_145] : memref<8x128x16xf32, #tpu.memory_space<vmem>> -> memref<1x128x16xf32, #tpu.memory_space<vmem>>
        %dma_start3A_147 = tpu.memref_squeeze %dma_start3A_146 : memref<1x128x16xf32, #tpu.memory_space<vmem>> -> memref<128x16xf32, #tpu.memory_space<vmem>>
        %dma_start3A_148 = arith.constant 0 : i32
        %dma_start3A_149 = tpu.memref_slice %arg7[%scan3A_131, %dma_start3A_148] : memref<80x128xi32, #tpu.memory_space<vmem>> -> memref<1x128xi32, #tpu.memory_space<vmem>>
        %dma_start3A_150 = tpu.memref_squeeze %dma_start3A_149 : memref<1x128xi32, #tpu.memory_space<vmem>> -> memref<128xi32, #tpu.memory_space<vmem>>
        %dma_start3A_151 = arith.constant 0 : i32
        %dma_start3A_152 = arith.constant 0 : i32
        %dma_start3A_153 = tpu.memref_slice %arg4[%dma_start3A_151, %dma_start3A_152] : memref<10240x16xf32, #tpu.memory_space<hbm>> -> memref<10240x16xf32, #tpu.memory_space<hbm>>
        %dma_start3A_154 = tpu.memref_slice %arg11[%rem3A_139] : memref<8x!tpu.dma_semaphore, #tpu.memory_space<semaphore_mem>> -> memref<1x!tpu.dma_semaphore, #tpu.memory_space<semaphore_mem>>
        %dma_start3A_155 = tpu.memref_squeeze %dma_start3A_154 : memref<1x!tpu.dma_semaphore, #tpu.memory_space<semaphore_mem>> -> memref<!tpu.dma_semaphore, #tpu.memory_space<semaphore_mem>>
        tpu.enqueue_indirect_dma source(%dma_start3A_153 : memref<10240x16xf32, #tpu.memory_space<hbm>>) target(%dma_start3A_147 : memref<128x16xf32, #tpu.memory_space<vmem>>) offsets(%dma_start3A_150 : memref<128xi32, #tpu.memory_space<vmem>>) semaphore(%dma_start3A_155 : memref<!tpu.dma_semaphore, #tpu.memory_space<semaphore_mem>>)
      } else {
      }
      %sub3A = arith.constant 4 : i32
      %sub3A_134 = arith.subi %scan3A_131, %sub3A : i32
      %ge3A = arith.constant 0 : i32
      %ge3A_135 = arith.cmpi sge, %sub3A_134, %ge3A : i32
      %convert_element_type3A_136 = arith.extui %ge3A_135 : i1 to i32
      %cond3A_137 = arith.constant 0 : i32
      %cond3A_138 = arith.cmpi ne, %convert_element_type3A_136, %cond3A_137 : i32
      scf.if %cond3A_138 {
        %rem3A = arith.constant 8 : i32
        %rem3A_139 = arith.remsi %sub3A_134, %rem3A : i32
        %dma_wait3A_140 = arith.constant 0 : i32
        %dma_wait3A_141 = arith.constant 0 : i32
        %dma_wait3A_142 = tpu.memref_slice %arg9[%rem3A_139, %dma_wait3A_140, %dma_wait3A_141] : memref<8x128x16xf32, #tpu.memory_space<vmem>> -> memref<1x128x16xf32, #tpu.memory_space<vmem>>
        %dma_wait3A_143 = tpu.memref_squeeze %dma_wait3A_142 : memref<1x128x16xf32, #tpu.memory_space<vmem>> -> memref<128x16xf32, #tpu.memory_space<vmem>>
        %dma_wait3A_144 = arith.constant 0 : i32
        %dma_wait3A_145 = tpu.memref_slice %arg7[%sub3A_134, %dma_wait3A_144] : memref<80x128xi32, #tpu.memory_space<vmem>> -> memref<1x128xi32, #tpu.memory_space<vmem>>
        %dma_wait3A_146 = tpu.memref_squeeze %dma_wait3A_145 : memref<1x128xi32, #tpu.memory_space<vmem>> -> memref<128xi32, #tpu.memory_space<vmem>>
        %dma_wait3A_147 = arith.constant 0 : i32
        %dma_wait3A_148 = arith.constant 0 : i32
        %dma_wait3A_149 = tpu.memref_slice %arg4[%dma_wait3A_147, %dma_wait3A_148] : memref<10240x16xf32, #tpu.memory_space<hbm>> -> memref<10240x16xf32, #tpu.memory_space<hbm>>
        %dma_wait3A_150 = tpu.memref_slice %arg11[%rem3A_139] : memref<8x!tpu.dma_semaphore, #tpu.memory_space<semaphore_mem>> -> memref<1x!tpu.dma_semaphore, #tpu.memory_space<semaphore_mem>>
        %dma_wait3A_151 = tpu.memref_squeeze %dma_wait3A_150 : memref<1x!tpu.dma_semaphore, #tpu.memory_space<semaphore_mem>> -> memref<!tpu.dma_semaphore, #tpu.memory_space<semaphore_mem>>
        tpu.wait_indirect_dma semaphore(%dma_wait3A_151 : memref<!tpu.dma_semaphore, #tpu.memory_space<semaphore_mem>>) src(%dma_wait3A_149 : memref<10240x16xf32, #tpu.memory_space<hbm>>) dst(%dma_wait3A_143 : memref<128x16xf32, #tpu.memory_space<vmem>>)
        %dma_start3A = arith.constant 0 : i32
        %dma_start3A_152 = arith.constant 0 : i32
        %dma_start3A_153 = tpu.memref_slice %arg9[%rem3A_139, %dma_start3A, %dma_start3A_152] : memref<8x128x16xf32, #tpu.memory_space<vmem>> -> memref<1x128x16xf32, #tpu.memory_space<vmem>>
        %dma_start3A_154 = tpu.memref_squeeze %dma_start3A_153 : memref<1x128x16xf32, #tpu.memory_space<vmem>> -> memref<128x16xf32, #tpu.memory_space<vmem>>
        %dma_start3A_155 = arith.constant 0 : i32
        %dma_start3A_156 = tpu.memref_slice %arg8[%sub3A_134, %dma_start3A_155] : memref<80x128xi32, #tpu.memory_space<vmem>> -> memref<1x128xi32, #tpu.memory_space<vmem>>
        %dma_start3A_157 = tpu.memref_squeeze %dma_start3A_156 : memref<1x128xi32, #tpu.memory_space<vmem>> -> memref<128xi32, #tpu.memory_space<vmem>>
        %dma_start3A_158 = arith.constant 0 : i32
        %dma_start3A_159 = arith.constant 0 : i32
        %dma_start3A_160 = tpu.memref_slice %arg10[%dma_start3A_158, %dma_start3A_159] : memref<10240x16xf32, #tpu.memory_space<vmem_shared>> -> memref<10240x16xf32, #tpu.memory_space<vmem_shared>>
        %dma_start3A_161 = tpu.memref_slice %arg12[%rem3A_139] : memref<8x!tpu.dma_semaphore, #tpu.memory_space<semaphore_mem>> -> memref<1x!tpu.dma_semaphore, #tpu.memory_space<semaphore_mem>>
        %dma_start3A_162 = tpu.memref_squeeze %dma_start3A_161 : memref<1x!tpu.dma_semaphore, #tpu.memory_space<semaphore_mem>> -> memref<!tpu.dma_semaphore, #tpu.memory_space<semaphore_mem>>
        tpu.enqueue_indirect_dma source(%dma_start3A_154 : memref<128x16xf32, #tpu.memory_space<vmem>>) target(%dma_start3A_160 : memref<10240x16xf32, #tpu.memory_space<vmem_shared>>) offsets(%dma_start3A_157 : memref<128xi32, #tpu.memory_space<vmem>>) semaphore(%dma_start3A_162 : memref<!tpu.dma_semaphore, #tpu.memory_space<semaphore_mem>>) {add = true}
      } else {
      }
    }
    %scan3A_10 = arith.constant 84 : i32
    %dma_wait3A = arith.constant 0 : i32
    %dma_wait3A_11 = arith.constant 0 : i32
    %dma_wait3A_12 = arith.constant 0 : i32
    %dma_wait3A_13 = arith.constant 0 : i32
    %dma_wait3A_14 = arith.constant 0 : i32
    %dma_wait3A_15 = tpu.memref_slice %arg9[%dma_wait3A, %dma_wait3A_13, %dma_wait3A_14] : memref<8x128x16xf32, #tpu.memory_space<vmem>> -> memref<1x128x16xf32, #tpu.memory_space<vmem>>
    %dma_wait3A_16 = tpu.memref_squeeze %dma_wait3A_15 : memref<1x128x16xf32, #tpu.memory_space<vmem>> -> memref<128x16xf32, #tpu.memory_space<vmem>>
    %dma_wait3A_17 = arith.constant 0 : i32
    %dma_wait3A_18 = tpu.memref_slice %arg7[%dma_wait3A_11, %dma_wait3A_17] : memref<80x128xi32, #tpu.memory_space<vmem>> -> memref<1x128xi32, #tpu.memory_space<vmem>>
    %dma_wait3A_19 = tpu.memref_squeeze %dma_wait3A_18 : memref<1x128xi32, #tpu.memory_space<vmem>> -> memref<128xi32, #tpu.memory_space<vmem>>
    %dma_wait3A_20 = arith.constant 0 : i32
    %dma_wait3A_21 = arith.constant 0 : i32
    %dma_wait3A_22 = tpu.memref_slice %arg10[%dma_wait3A_20, %dma_wait3A_21] : memref<10240x16xf32, #tpu.memory_space<vmem_shared>> -> memref<10240x16xf32, #tpu.memory_space<vmem_shared>>
    %dma_wait3A_23 = tpu.memref_slice %arg12[%dma_wait3A_12] : memref<8x!tpu.dma_semaphore, #tpu.memory_space<semaphore_mem>> -> memref<1x!tpu.dma_semaphore, #tpu.memory_space<semaphore_mem>>
    %dma_wait3A_24 = tpu.memref_squeeze %dma_wait3A_23 : memref<1x!tpu.dma_semaphore, #tpu.memory_space<semaphore_mem>> -> memref<!tpu.dma_semaphore, #tpu.memory_space<semaphore_mem>>
    tpu.wait_indirect_dma semaphore(%dma_wait3A_24 : memref<!tpu.dma_semaphore, #tpu.memory_space<semaphore_mem>>) src(%dma_wait3A_16 : memref<128x16xf32, #tpu.memory_space<vmem>>) dst(%dma_wait3A_22 : memref<10240x16xf32, #tpu.memory_space<vmem_shared>>)
    %dma_wait3A_25 = arith.constant 1 : i32
    %dma_wait3A_26 = arith.constant 0 : i32
    %dma_wait3A_27 = arith.constant 1 : i32
    %dma_wait3A_28 = arith.constant 0 : i32
    %dma_wait3A_29 = arith.constant 0 : i32
    %dma_wait3A_30 = tpu.memref_slice %arg9[%dma_wait3A_25, %dma_wait3A_28, %dma_wait3A_29] : memref<8x128x16xf32, #tpu.memory_space<vmem>> -> memref<1x128x16xf32, #tpu.memory_space<vmem>>
    %dma_wait3A_31 = tpu.memref_squeeze %dma_wait3A_30 : memref<1x128x16xf32, #tpu.memory_space<vmem>> -> memref<128x16xf32, #tpu.memory_space<vmem>>
    %dma_wait3A_32 = arith.constant 0 : i32
    %dma_wait3A_33 = tpu.memref_slice %arg7[%dma_wait3A_26, %dma_wait3A_32] : memref<80x128xi32, #tpu.memory_space<vmem>> -> memref<1x128xi32, #tpu.memory_space<vmem>>
    %dma_wait3A_34 = tpu.memref_squeeze %dma_wait3A_33 : memref<1x128xi32, #tpu.memory_space<vmem>> -> memref<128xi32, #tpu.memory_space<vmem>>
    %dma_wait3A_35 = arith.constant 0 : i32
    %dma_wait3A_36 = arith.constant 0 : i32
    %dma_wait3A_37 = tpu.memref_slice %arg10[%dma_wait3A_35, %dma_wait3A_36] : memref<10240x16xf32, #tpu.memory_space<vmem_shared>> -> memref<10240x16xf32, #tpu.memory_space<vmem_shared>>
    %dma_wait3A_38 = tpu.memref_slice %arg12[%dma_wait3A_27] : memref<8x!tpu.dma_semaphore, #tpu.memory_space<semaphore_mem>> -> memref<1x!tpu.dma_semaphore, #tpu.memory_space<semaphore_mem>>
    %dma_wait3A_39 = tpu.memref_squeeze %dma_wait3A_38 : memref<1x!tpu.dma_semaphore, #tpu.memory_space<semaphore_mem>> -> memref<!tpu.dma_semaphore, #tpu.memory_space<semaphore_mem>>
    tpu.wait_indirect_dma semaphore(%dma_wait3A_39 : memref<!tpu.dma_semaphore, #tpu.memory_space<semaphore_mem>>) src(%dma_wait3A_31 : memref<128x16xf32, #tpu.memory_space<vmem>>) dst(%dma_wait3A_37 : memref<10240x16xf32, #tpu.memory_space<vmem_shared>>)
    %dma_wait3A_40 = arith.constant 2 : i32
    %dma_wait3A_41 = arith.constant 0 : i32
    %dma_wait3A_42 = arith.constant 2 : i32
    %dma_wait3A_43 = arith.constant 0 : i32
    %dma_wait3A_44 = arith.constant 0 : i32
    %dma_wait3A_45 = tpu.memref_slice %arg9[%dma_wait3A_40, %dma_wait3A_43, %dma_wait3A_44] : memref<8x128x16xf32, #tpu.memory_space<vmem>> -> memref<1x128x16xf32, #tpu.memory_space<vmem>>
    %dma_wait3A_46 = tpu.memref_squeeze %dma_wait3A_45 : memref<1x128x16xf32, #tpu.memory_space<vmem>> -> memref<128x16xf32, #tpu.memory_space<vmem>>
    %dma_wait3A_47 = arith.constant 0 : i32
    %dma_wait3A_48 = tpu.memref_slice %arg7[%dma_wait3A_41, %dma_wait3A_47] : memref<80x128xi32, #tpu.memory_space<vmem>> -> memref<1x128xi32, #tpu.memory_space<vmem>>
    %dma_wait3A_49 = tpu.memref_squeeze %dma_wait3A_48 : memref<1x128xi32, #tpu.memory_space<vmem>> -> memref<128xi32, #tpu.memory_space<vmem>>
    %dma_wait3A_50 = arith.constant 0 : i32
    %dma_wait3A_51 = arith.constant 0 : i32
    %dma_wait3A_52 = tpu.memref_slice %arg10[%dma_wait3A_50, %dma_wait3A_51] : memref<10240x16xf32, #tpu.memory_space<vmem_shared>> -> memref<10240x16xf32, #tpu.memory_space<vmem_shared>>
    %dma_wait3A_53 = tpu.memref_slice %arg12[%dma_wait3A_42] : memref<8x!tpu.dma_semaphore, #tpu.memory_space<semaphore_mem>> -> memref<1x!tpu.dma_semaphore, #tpu.memory_space<semaphore_mem>>
    %dma_wait3A_54 = tpu.memref_squeeze %dma_wait3A_53 : memref<1x!tpu.dma_semaphore, #tpu.memory_space<semaphore_mem>> -> memref<!tpu.dma_semaphore, #tpu.memory_space<semaphore_mem>>
    tpu.wait_indirect_dma semaphore(%dma_wait3A_54 : memref<!tpu.dma_semaphore, #tpu.memory_space<semaphore_mem>>) src(%dma_wait3A_46 : memref<128x16xf32, #tpu.memory_space<vmem>>) dst(%dma_wait3A_52 : memref<10240x16xf32, #tpu.memory_space<vmem_shared>>)
    %dma_wait3A_55 = arith.constant 3 : i32
    %dma_wait3A_56 = arith.constant 0 : i32
    %dma_wait3A_57 = arith.constant 3 : i32
    %dma_wait3A_58 = arith.constant 0 : i32
    %dma_wait3A_59 = arith.constant 0 : i32
    %dma_wait3A_60 = tpu.memref_slice %arg9[%dma_wait3A_55, %dma_wait3A_58, %dma_wait3A_59] : memref<8x128x16xf32, #tpu.memory_space<vmem>> -> memref<1x128x16xf32, #tpu.memory_space<vmem>>
    %dma_wait3A_61 = tpu.memref_squeeze %dma_wait3A_60 : memref<1x128x16xf32, #tpu.memory_space<vmem>> -> memref<128x16xf32, #tpu.memory_space<vmem>>
    %dma_wait3A_62 = arith.constant 0 : i32
    %dma_wait3A_63 = tpu.memref_slice %arg7[%dma_wait3A_56, %dma_wait3A_62] : memref<80x128xi32, #tpu.memory_space<vmem>> -> memref<1x128xi32, #tpu.memory_space<vmem>>
    %dma_wait3A_64 = tpu.memref_squeeze %dma_wait3A_63 : memref<1x128xi32, #tpu.memory_space<vmem>> -> memref<128xi32, #tpu.memory_space<vmem>>
    %dma_wait3A_65 = arith.constant 0 : i32
    %dma_wait3A_66 = arith.constant 0 : i32
    %dma_wait3A_67 = tpu.memref_slice %arg10[%dma_wait3A_65, %dma_wait3A_66] : memref<10240x16xf32, #tpu.memory_space<vmem_shared>> -> memref<10240x16xf32, #tpu.memory_space<vmem_shared>>
    %dma_wait3A_68 = tpu.memref_slice %arg12[%dma_wait3A_57] : memref<8x!tpu.dma_semaphore, #tpu.memory_space<semaphore_mem>> -> memref<1x!tpu.dma_semaphore, #tpu.memory_space<semaphore_mem>>
    %dma_wait3A_69 = tpu.memref_squeeze %dma_wait3A_68 : memref<1x!tpu.dma_semaphore, #tpu.memory_space<semaphore_mem>> -> memref<!tpu.dma_semaphore, #tpu.memory_space<semaphore_mem>>
    tpu.wait_indirect_dma semaphore(%dma_wait3A_69 : memref<!tpu.dma_semaphore, #tpu.memory_space<semaphore_mem>>) src(%dma_wait3A_61 : memref<128x16xf32, #tpu.memory_space<vmem>>) dst(%dma_wait3A_67 : memref<10240x16xf32, #tpu.memory_space<vmem_shared>>)
    %dma_wait3A_70 = arith.constant 4 : i32
    %dma_wait3A_71 = arith.constant 0 : i32
    %dma_wait3A_72 = arith.constant 4 : i32
    %dma_wait3A_73 = arith.constant 0 : i32
    %dma_wait3A_74 = arith.constant 0 : i32
    %dma_wait3A_75 = tpu.memref_slice %arg9[%dma_wait3A_70, %dma_wait3A_73, %dma_wait3A_74] : memref<8x128x16xf32, #tpu.memory_space<vmem>> -> memref<1x128x16xf32, #tpu.memory_space<vmem>>
    %dma_wait3A_76 = tpu.memref_squeeze %dma_wait3A_75 : memref<1x128x16xf32, #tpu.memory_space<vmem>> -> memref<128x16xf32, #tpu.memory_space<vmem>>
    %dma_wait3A_77 = arith.constant 0 : i32
    %dma_wait3A_78 = tpu.memref_slice %arg7[%dma_wait3A_71, %dma_wait3A_77] : memref<80x128xi32, #tpu.memory_space<vmem>> -> memref<1x128xi32, #tpu.memory_space<vmem>>
    %dma_wait3A_79 = tpu.memref_squeeze %dma_wait3A_78 : memref<1x128xi32, #tpu.memory_space<vmem>> -> memref<128xi32, #tpu.memory_space<vmem>>
    %dma_wait3A_80 = arith.constant 0 : i32
    %dma_wait3A_81 = arith.constant 0 : i32
    %dma_wait3A_82 = tpu.memref_slice %arg10[%dma_wait3A_80, %dma_wait3A_81] : memref<10240x16xf32, #tpu.memory_space<vmem_shared>> -> memref<10240x16xf32, #tpu.memory_space<vmem_shared>>
    %dma_wait3A_83 = tpu.memref_slice %arg12[%dma_wait3A_72] : memref<8x!tpu.dma_semaphore, #tpu.memory_space<semaphore_mem>> -> memref<1x!tpu.dma_semaphore, #tpu.memory_space<semaphore_mem>>
    %dma_wait3A_84 = tpu.memref_squeeze %dma_wait3A_83 : memref<1x!tpu.dma_semaphore, #tpu.memory_space<semaphore_mem>> -> memref<!tpu.dma_semaphore, #tpu.memory_space<semaphore_mem>>
    tpu.wait_indirect_dma semaphore(%dma_wait3A_84 : memref<!tpu.dma_semaphore, #tpu.memory_space<semaphore_mem>>) src(%dma_wait3A_76 : memref<128x16xf32, #tpu.memory_space<vmem>>) dst(%dma_wait3A_82 : memref<10240x16xf32, #tpu.memory_space<vmem_shared>>)
    %dma_wait3A_85 = arith.constant 5 : i32
    %dma_wait3A_86 = arith.constant 0 : i32
    %dma_wait3A_87 = arith.constant 5 : i32
    %dma_wait3A_88 = arith.constant 0 : i32
    %dma_wait3A_89 = arith.constant 0 : i32
    %dma_wait3A_90 = tpu.memref_slice %arg9[%dma_wait3A_85, %dma_wait3A_88, %dma_wait3A_89] : memref<8x128x16xf32, #tpu.memory_space<vmem>> -> memref<1x128x16xf32, #tpu.memory_space<vmem>>
    %dma_wait3A_91 = tpu.memref_squeeze %dma_wait3A_90 : memref<1x128x16xf32, #tpu.memory_space<vmem>> -> memref<128x16xf32, #tpu.memory_space<vmem>>
    %dma_wait3A_92 = arith.constant 0 : i32
    %dma_wait3A_93 = tpu.memref_slice %arg7[%dma_wait3A_86, %dma_wait3A_92] : memref<80x128xi32, #tpu.memory_space<vmem>> -> memref<1x128xi32, #tpu.memory_space<vmem>>
    %dma_wait3A_94 = tpu.memref_squeeze %dma_wait3A_93 : memref<1x128xi32, #tpu.memory_space<vmem>> -> memref<128xi32, #tpu.memory_space<vmem>>
    %dma_wait3A_95 = arith.constant 0 : i32
    %dma_wait3A_96 = arith.constant 0 : i32
    %dma_wait3A_97 = tpu.memref_slice %arg10[%dma_wait3A_95, %dma_wait3A_96] : memref<10240x16xf32, #tpu.memory_space<vmem_shared>> -> memref<10240x16xf32, #tpu.memory_space<vmem_shared>>
    %dma_wait3A_98 = tpu.memref_slice %arg12[%dma_wait3A_87] : memref<8x!tpu.dma_semaphore, #tpu.memory_space<semaphore_mem>> -> memref<1x!tpu.dma_semaphore, #tpu.memory_space<semaphore_mem>>
    %dma_wait3A_99 = tpu.memref_squeeze %dma_wait3A_98 : memref<1x!tpu.dma_semaphore, #tpu.memory_space<semaphore_mem>> -> memref<!tpu.dma_semaphore, #tpu.memory_space<semaphore_mem>>
    tpu.wait_indirect_dma semaphore(%dma_wait3A_99 : memref<!tpu.dma_semaphore, #tpu.memory_space<semaphore_mem>>) src(%dma_wait3A_91 : memref<128x16xf32, #tpu.memory_space<vmem>>) dst(%dma_wait3A_97 : memref<10240x16xf32, #tpu.memory_space<vmem_shared>>)
    %dma_wait3A_100 = arith.constant 6 : i32
    %dma_wait3A_101 = arith.constant 0 : i32
    %dma_wait3A_102 = arith.constant 6 : i32
    %dma_wait3A_103 = arith.constant 0 : i32
    %dma_wait3A_104 = arith.constant 0 : i32
    %dma_wait3A_105 = tpu.memref_slice %arg9[%dma_wait3A_100, %dma_wait3A_103, %dma_wait3A_104] : memref<8x128x16xf32, #tpu.memory_space<vmem>> -> memref<1x128x16xf32, #tpu.memory_space<vmem>>
    %dma_wait3A_106 = tpu.memref_squeeze %dma_wait3A_105 : memref<1x128x16xf32, #tpu.memory_space<vmem>> -> memref<128x16xf32, #tpu.memory_space<vmem>>
    %dma_wait3A_107 = arith.constant 0 : i32
    %dma_wait3A_108 = tpu.memref_slice %arg7[%dma_wait3A_101, %dma_wait3A_107] : memref<80x128xi32, #tpu.memory_space<vmem>> -> memref<1x128xi32, #tpu.memory_space<vmem>>
    %dma_wait3A_109 = tpu.memref_squeeze %dma_wait3A_108 : memref<1x128xi32, #tpu.memory_space<vmem>> -> memref<128xi32, #tpu.memory_space<vmem>>
    %dma_wait3A_110 = arith.constant 0 : i32
    %dma_wait3A_111 = arith.constant 0 : i32
    %dma_wait3A_112 = tpu.memref_slice %arg10[%dma_wait3A_110, %dma_wait3A_111] : memref<10240x16xf32, #tpu.memory_space<vmem_shared>> -> memref<10240x16xf32, #tpu.memory_space<vmem_shared>>
    %dma_wait3A_113 = tpu.memref_slice %arg12[%dma_wait3A_102] : memref<8x!tpu.dma_semaphore, #tpu.memory_space<semaphore_mem>> -> memref<1x!tpu.dma_semaphore, #tpu.memory_space<semaphore_mem>>
    %dma_wait3A_114 = tpu.memref_squeeze %dma_wait3A_113 : memref<1x!tpu.dma_semaphore, #tpu.memory_space<semaphore_mem>> -> memref<!tpu.dma_semaphore, #tpu.memory_space<semaphore_mem>>
    tpu.wait_indirect_dma semaphore(%dma_wait3A_114 : memref<!tpu.dma_semaphore, #tpu.memory_space<semaphore_mem>>) src(%dma_wait3A_106 : memref<128x16xf32, #tpu.memory_space<vmem>>) dst(%dma_wait3A_112 : memref<10240x16xf32, #tpu.memory_space<vmem_shared>>)
    %dma_wait3A_115 = arith.constant 7 : i32
    %dma_wait3A_116 = arith.constant 0 : i32
    %dma_wait3A_117 = arith.constant 7 : i32
    %dma_wait3A_118 = arith.constant 0 : i32
    %dma_wait3A_119 = arith.constant 0 : i32
    %dma_wait3A_120 = tpu.memref_slice %arg9[%dma_wait3A_115, %dma_wait3A_118, %dma_wait3A_119] : memref<8x128x16xf32, #tpu.memory_space<vmem>> -> memref<1x128x16xf32, #tpu.memory_space<vmem>>
    %dma_wait3A_121 = tpu.memref_squeeze %dma_wait3A_120 : memref<1x128x16xf32, #tpu.memory_space<vmem>> -> memref<128x16xf32, #tpu.memory_space<vmem>>
    %dma_wait3A_122 = arith.constant 0 : i32
    %dma_wait3A_123 = tpu.memref_slice %arg7[%dma_wait3A_116, %dma_wait3A_122] : memref<80x128xi32, #tpu.memory_space<vmem>> -> memref<1x128xi32, #tpu.memory_space<vmem>>
    %dma_wait3A_124 = tpu.memref_squeeze %dma_wait3A_123 : memref<1x128xi32, #tpu.memory_space<vmem>> -> memref<128xi32, #tpu.memory_space<vmem>>
    %dma_wait3A_125 = arith.constant 0 : i32
    %dma_wait3A_126 = arith.constant 0 : i32
    %dma_wait3A_127 = tpu.memref_slice %arg10[%dma_wait3A_125, %dma_wait3A_126] : memref<10240x16xf32, #tpu.memory_space<vmem_shared>> -> memref<10240x16xf32, #tpu.memory_space<vmem_shared>>
    %dma_wait3A_128 = tpu.memref_slice %arg12[%dma_wait3A_117] : memref<8x!tpu.dma_semaphore, #tpu.memory_space<semaphore_mem>> -> memref<1x!tpu.dma_semaphore, #tpu.memory_space<semaphore_mem>>
    %dma_wait3A_129 = tpu.memref_squeeze %dma_wait3A_128 : memref<1x!tpu.dma_semaphore, #tpu.memory_space<semaphore_mem>> -> memref<!tpu.dma_semaphore, #tpu.memory_space<semaphore_mem>>
    tpu.wait_indirect_dma semaphore(%dma_wait3A_129 : memref<!tpu.dma_semaphore, #tpu.memory_space<semaphore_mem>>) src(%dma_wait3A_121 : memref<128x16xf32, #tpu.memory_space<vmem>>) dst(%dma_wait3A_127 : memref<10240x16xf32, #tpu.memory_space<vmem_shared>>)
    %barrier3A_130 = arith.constant 0 : index
    tpu.barrier barrier_id(%barrier3A_130)
    "tpu.region"() ({
      %run_scoped3A = tpu.sem_alloc : memref<!tpu.dma_semaphore, #tpu.memory_space<semaphore_mem>>
      %dma_start3A = arith.constant 0 : i32
      %dma_start3A_131 = tpu.memref_slice %arg6[%arg0, %mul3A_0, %dma_start3A] : memref<2x10240x16xf32, #tpu.memory_space<hbm>> -> memref<1x640x16xf32, #tpu.memory_space<hbm>>
      %dma_start3A_132 = tpu.memref_squeeze %dma_start3A_131 : memref<1x640x16xf32, #tpu.memory_space<hbm>> -> memref<640x16xf32, #tpu.memory_space<hbm>>
      %dma_start3A_133 = arith.constant 0 : i32
      %dma_start3A_134 = tpu.memref_slice %arg10[%mul3A_0, %dma_start3A_133] : memref<10240x16xf32, #tpu.memory_space<vmem_shared>> -> memref<640x16xf32, #tpu.memory_space<vmem_shared>>
      tpu.enqueue_dma source(%dma_start3A_134 : memref<640x16xf32, #tpu.memory_space<vmem_shared>>) target(%dma_start3A_132 : memref<640x16xf32, #tpu.memory_space<hbm>>) target_semaphore(%run_scoped3A : memref<!tpu.dma_semaphore, #tpu.memory_space<semaphore_mem>>)
      %dma_wait3A_135 = arith.constant 0 : i32
      %dma_wait3A_136 = tpu.memref_slice %arg6[%arg0, %mul3A_0, %dma_wait3A_135] : memref<2x10240x16xf32, #tpu.memory_space<hbm>> -> memref<1x640x16xf32, #tpu.memory_space<hbm>>
      %dma_wait3A_137 = tpu.memref_squeeze %dma_wait3A_136 : memref<1x640x16xf32, #tpu.memory_space<hbm>> -> memref<640x16xf32, #tpu.memory_space<hbm>>
      %dma_wait3A_138 = arith.constant 0 : i32
      %dma_wait3A_139 = tpu.memref_slice %arg10[%mul3A_0, %dma_wait3A_138] : memref<10240x16xf32, #tpu.memory_space<vmem_shared>> -> memref<640x16xf32, #tpu.memory_space<vmem_shared>>
      tpu.wait_dma2 semaphore(%run_scoped3A : memref<!tpu.dma_semaphore, #tpu.memory_space<semaphore_mem>>) src(%dma_wait3A_139 : memref<640x16xf32, #tpu.memory_space<vmem_shared>>) dst(%dma_wait3A_137 : memref<640x16xf32, #tpu.memory_space<hbm>>)
      tpu.yield
    }) : () -> ()
    return
  }
}

module attributes {stable_mosaic.version = 14 : i64} {
  func.func @mm_body(%arg0: memref<10000x128xf32, #tpu.memory_space<vmem>>, %arg1: memref<128x16xf32, #tpu.memory_space<vmem>>, %arg2: memref<10000x16xf32, #tpu.memory_space<vmem>>) attributes {dimension_semantics = [], scalar_prefetch = 0 : i64, scratch_operands = 0 : i64, tpu.core_type = #tpu.core_type<tc>} {
    %get3A = arith.constant 0 : index
    %get3A_0 = arith.constant 0 : index
    %get3A_1 = vector.load %arg0[%get3A, %get3A_0] : memref<10000x128xf32, #tpu.memory_space<vmem>>, vector<10000x128xf32>
    %get3A_2 = arith.constant 0 : index
    %get3A_3 = arith.constant 0 : index
    %get3A_4 = vector.load %arg1[%get3A_2, %get3A_3] : memref<128x16xf32, #tpu.memory_space<vmem>>, vector<128x16xf32>
    %dot_general3A = arith.constant dense<0.000000e+00> : vector<10000x16xf32>
    %dot_general3A_5 = tpu.matmul %get3A_1, %get3A_4, %dot_general3A {dimension_numbers = #tpu.dot_dimension_numbers<[1], [0], [0], [1], [0, 0, 1, 1], [], []>, transpose_lhs_hint = false} : vector<10000x128xf32>, vector<128x16xf32>, vector<10000x16xf32> -> vector<10000x16xf32>
    %swap3A = arith.constant 0 : index
    %swap3A_6 = arith.constant 0 : index
    %swap3A_7 = vector.load %arg2[%swap3A, %swap3A_6] : memref<10000x16xf32, #tpu.memory_space<vmem>>, vector<10000x16xf32>
    tpu.vector_store %arg2[%swap3A, %swap3A_6], %dot_general3A_5 {strides = array<i32>} : memref<10000x16xf32, #tpu.memory_space<vmem>>, vector<10000x16xf32>,
    return
  }
}

module attributes {stable_mosaic.version = 14 : i64} {
  func.func @prep_body(%arg0: memref<10000x16xf32, #tpu.memory_space<vmem>>, %arg1: memref<2x10240xf32, #tpu.memory_space<vmem>>, %arg2: memref<10240x16xf32, #tpu.memory_space<vmem>>, %arg3: memref<10240x16xf32, #tpu.memory_space<vmem>>) attributes {dimension_semantics = [], scalar_prefetch = 0 : i64, scratch_operands = 0 : i64, tpu.core_type = #tpu.core_type<tc>} {
    %get3A = arith.constant 0 : index
    %get3A_0 = arith.constant 0 : index
    %get3A_1 = vector.load %arg1[%get3A, %get3A_0] : memref<2x10240xf32, #tpu.memory_space<vmem>>, vector<1x10000xf32>
    %get3A_2 = vector.shape_cast %get3A_1 : vector<1x10000xf32> to vector<10000xf32>
    %get3A_3 = arith.constant 1 : index
    %get3A_4 = arith.constant 0 : index
    %get3A_5 = vector.load %arg1[%get3A_3, %get3A_4] : memref<2x10240xf32, #tpu.memory_space<vmem>>, vector<1x10000xf32>
    %get3A_6 = vector.shape_cast %get3A_5 : vector<1x10000xf32> to vector<10000xf32>
    %add3A = arith.addf %get3A_2, %get3A_6 : vector<10000xf32>
    %add3A_7 = arith.constant 1.000000e+00 : f32
    %add3A_8 = vector.broadcast %add3A_7 : f32 to vector<10000xf32>
    %add3A_9 = arith.addf %add3A, %add3A_8 : vector<10000xf32>
    %rsqrt3A = math.rsqrt %add3A_9 : vector<10000xf32>
    %broadcast_in_dim3A = vector.shape_cast %rsqrt3A : vector<10000xf32> to vector<10000x1xf32>
    %broadcast_in_dim3A_10 = vector.shape_cast %broadcast_in_dim3A : vector<10000x1xf32> to vector<10000x1xf32>
    %broadcast_in_dim3A_11 = vector.broadcast %broadcast_in_dim3A_10 : vector<10000x1xf32> to vector<10000x16xf32>
    %swap3A = arith.constant 0 : index
    %swap3A_12 = arith.constant 0 : index
    %swap3A_13 = vector.load %arg3[%swap3A, %swap3A_12] : memref<10240x16xf32, #tpu.memory_space<vmem>>, vector<10000x16xf32>
    tpu.vector_store %arg3[%swap3A, %swap3A_12], %broadcast_in_dim3A_11 {strides = array<i32>} : memref<10240x16xf32, #tpu.memory_space<vmem>>, vector<10000x16xf32>,
    %broadcast_in_dim3A_14 = arith.constant 1.000000e+00 : f32
    %broadcast_in_dim3A_15 = vector.broadcast %broadcast_in_dim3A_14 : f32 to vector<240x16xf32>
    %swap3A_16 = arith.constant 10000 : index
    %swap3A_17 = arith.constant 0 : index
    %swap3A_18 = vector.load %arg3[%swap3A_16, %swap3A_17] : memref<10240x16xf32, #tpu.memory_space<vmem>>, vector<240x16xf32>
    tpu.vector_store %arg3[%swap3A_16, %swap3A_17], %broadcast_in_dim3A_15 {strides = array<i32>} : memref<10240x16xf32, #tpu.memory_space<vmem>>, vector<240x16xf32>,
    %get3A_19 = arith.constant 0 : index
    %get3A_20 = arith.constant 0 : index
    %get3A_21 = vector.load %arg0[%get3A_19, %get3A_20] : memref<10000x16xf32, #tpu.memory_space<vmem>>, vector<10000x16xf32>
    %mul3A = vector.broadcast %broadcast_in_dim3A : vector<10000x1xf32> to vector<10000x16xf32>
    %mul3A_22 = arith.mulf %get3A_21, %mul3A : vector<10000x16xf32>
    %swap3A_23 = arith.constant 0 : index
    %swap3A_24 = arith.constant 0 : index
    %swap3A_25 = vector.load %arg2[%swap3A_23, %swap3A_24] : memref<10240x16xf32, #tpu.memory_space<vmem>>, vector<10000x16xf32>
    tpu.vector_store %arg2[%swap3A_23, %swap3A_24], %mul3A_22 {strides = array<i32>} : memref<10240x16xf32, #tpu.memory_space<vmem>>, vector<10000x16xf32>,
    %broadcast_in_dim3A_26 = arith.constant 0.000000e+00 : f32
    %broadcast_in_dim3A_27 = vector.broadcast %broadcast_in_dim3A_26 : f32 to vector<240x16xf32>
    %swap3A_28 = arith.constant 10000 : index
    %swap3A_29 = arith.constant 0 : index
    %swap3A_30 = vector.load %arg2[%swap3A_28, %swap3A_29] : memref<10240x16xf32, #tpu.memory_space<vmem>>, vector<240x16xf32>
    tpu.vector_store %arg2[%swap3A_28, %swap3A_29], %broadcast_in_dim3A_27 {strides = array<i32>} : memref<10240x16xf32, #tpu.memory_space<vmem>>, vector<240x16xf32>,
    return
  }
}

module attributes {stable_mosaic.version = 14 : i64} {
  func.func @fin_body(%arg0: memref<2x10240x16xf32, #tpu.memory_space<vmem>>, %arg1: memref<2x10240x16xf32, #tpu.memory_space<vmem>>, %arg2: memref<10240x16xf32, #tpu.memory_space<vmem>>, %arg3: memref<16x16xf32, #tpu.memory_space<vmem>>, %arg4: memref<1x16xf32, #tpu.memory_space<vmem>>, %arg5: memref<10000x16xf32, #tpu.memory_space<vmem>>) attributes {dimension_semantics = [], scalar_prefetch = 0 : i64, scratch_operands = 0 : i64, tpu.core_type = #tpu.core_type<tc>} {
    %get3A = arith.constant 0 : index
    %get3A_0 = arith.constant 0 : index
    %get3A_1 = vector.load %arg2[%get3A, %get3A_0] : memref<10240x16xf32, #tpu.memory_space<vmem>>, vector<10000x16xf32>
    %get3A_2 = arith.constant 0 : index
    %get3A_3 = arith.constant 0 : index
    %get3A_4 = arith.constant 0 : index
    %get3A_5 = vector.load %arg0[%get3A_2, %get3A_3, %get3A_4] : memref<2x10240x16xf32, #tpu.memory_space<vmem>>, vector<1x10000x16xf32>
    %get3A_6 = vector.shape_cast %get3A_5 : vector<1x10000x16xf32> to vector<10000x16xf32>
    %get3A_7 = arith.constant 1 : index
    %get3A_8 = arith.constant 0 : index
    %get3A_9 = arith.constant 0 : index
    %get3A_10 = vector.load %arg0[%get3A_7, %get3A_8, %get3A_9] : memref<2x10240x16xf32, #tpu.memory_space<vmem>>, vector<1x10000x16xf32>
    %get3A_11 = vector.shape_cast %get3A_10 : vector<1x10000x16xf32> to vector<10000x16xf32>
    %add3A = arith.addf %get3A_6, %get3A_11 : vector<10000x16xf32>
    %get3A_12 = arith.constant 0 : index
    %get3A_13 = arith.constant 0 : index
    %get3A_14 = arith.constant 0 : index
    %get3A_15 = vector.load %arg1[%get3A_12, %get3A_13, %get3A_14] : memref<2x10240x16xf32, #tpu.memory_space<vmem>>, vector<1x10000x16xf32>
    %get3A_16 = vector.shape_cast %get3A_15 : vector<1x10000x16xf32> to vector<10000x16xf32>
    %add3A_17 = arith.addf %add3A, %get3A_16 : vector<10000x16xf32>
    %mul3A = arith.mulf %get3A_1, %add3A_17 : vector<10000x16xf32>
    %get3A_18 = arith.constant 0 : index
    %get3A_19 = arith.constant 0 : index
    %get3A_20 = vector.load %arg3[%get3A_18, %get3A_19] : memref<16x16xf32, #tpu.memory_space<vmem>>, vector<16x16xf32>
    %dot_general3A = arith.constant dense<0.000000e+00> : vector<10000x16xf32>
    %dot_general3A_21 = tpu.matmul %mul3A, %get3A_20, %dot_general3A {dimension_numbers = #tpu.dot_dimension_numbers<[1], [0], [0], [1], [0, 0, 1, 1], [], []>, transpose_lhs_hint = false} : vector<10000x16xf32>, vector<16x16xf32>, vector<10000x16xf32> -> vector<10000x16xf32>
    %get3A_22 = arith.constant 0 : index
    %get3A_23 = arith.constant 0 : index
    %get3A_24 = vector.load %arg4[%get3A_22, %get3A_23] : memref<1x16xf32, #tpu.memory_space<vmem>>, vector<1x16xf32>
    %add3A_25 = vector.broadcast %get3A_24 : vector<1x16xf32> to vector<10000x16xf32>
    %add3A_26 = arith.addf %dot_general3A_21, %add3A_25 : vector<10000x16xf32>
    %iota3A = tpu.iota {dimensions = array<i32: 1>} : vector<10000x16xi32>
    %lt3A = arith.constant 11 : i32
    %lt3A_27 = vector.broadcast %lt3A : i32 to vector<10000x16xi32>
    %lt3A_28 = arith.cmpi slt, %iota3A, %lt3A_27 : vector<10000x16xi32>
    %jit3A = arith.constant 0xFF800000 : f32
    %broadcast_in_dim3A = vector.broadcast %jit3A : f32 to vector<10000x16xf32>
    %select_n3A = arith.select %lt3A_28, %add3A_26, %broadcast_in_dim3A : vector<10000x16xi1>, vector<10000x16xf32>
    %reduce_max3A = arith.constant dense<0xFF800000> : vector<10000xf32>
    %reduce_max3A_29 = vector.multi_reduction <maximumf>, %select_n3A, %reduce_max3A [1] : vector<10000x16xf32> to vector<10000xf32>
    %broadcast_in_dim3A_30 = vector.shape_cast %reduce_max3A_29 : vector<10000xf32> to vector<10000x1xf32>
    %lt3A_31 = arith.constant 11 : i32
    %lt3A_32 = vector.broadcast %lt3A_31 : i32 to vector<10000x16xi32>
    %lt3A_33 = arith.cmpi slt, %iota3A, %lt3A_32 : vector<10000x16xi32>
    %sub3A = vector.broadcast %broadcast_in_dim3A_30 : vector<10000x1xf32> to vector<10000x16xf32>
    %sub3A_34 = arith.subf %add3A_26, %sub3A : vector<10000x16xf32>
    %exp3A = math.exp %sub3A_34 : vector<10000x16xf32>
    %jit3A_35 = arith.constant 0.000000e+00 : f32
    %broadcast_in_dim3A_36 = vector.broadcast %jit3A_35 : f32 to vector<10000x16xf32>
    %select_n3A_37 = arith.select %lt3A_33, %exp3A, %broadcast_in_dim3A_36 : vector<10000x16xi1>, vector<10000x16xf32>
    %reduce_sum3A = arith.constant dense<0.000000e+00> : vector<10000xf32>
    %reduce_sum3A_38 = vector.multi_reduction <add>, %select_n3A_37, %reduce_sum3A [1] : vector<10000x16xf32> to vector<10000xf32>
    %broadcast_in_dim3A_39 = vector.shape_cast %reduce_sum3A_38 : vector<10000xf32> to vector<10000x1xf32>
    %log3A = math.log %broadcast_in_dim3A_39 : vector<10000x1xf32>
    %add3A_40 = arith.addf %broadcast_in_dim3A_30, %log3A : vector<10000x1xf32>
    %sub3A_41 = vector.broadcast %add3A_40 : vector<10000x1xf32> to vector<10000x16xf32>
    %sub3A_42 = arith.subf %add3A_26, %sub3A_41 : vector<10000x16xf32>
    %swap3A = arith.constant 0 : index
    %swap3A_43 = arith.constant 0 : index
    %swap3A_44 = vector.load %arg5[%swap3A, %swap3A_43] : memref<10000x16xf32, #tpu.memory_space<vmem>>, vector<10000x16xf32>
    tpu.vector_store %arg5[%swap3A, %swap3A_43], %sub3A_42 {strides = array<i32>} : memref<10000x16xf32, #tpu.memory_space<vmem>>, vector<10000x16xf32>,
    return
  }
}

</mosaic_0001>

<sc_bundles>
// kernel: kernel.11.cloned.1.call-start
scs
__scs_entry_jumppad:
0x0: {  	(pc) =	sbr.rel $0x88, $3  }
0x1: {  	(tag) =	ssettag $0x0;
	lr =	simm.s32 $0x1  }
0x2: {  	[smem:$0x3F9B] =	sst lr;
	_ =	strace $0xD0000000  }
0x3: {  	_ = 	snop  }
0x4: {  	_ = 	snop  }
0x5: {  	_ = 	snop  }
0x6: {  	_ = 	snop  }
0x7: {  	_ = 	snop  }
__scs_overlays_trampoline_lowered:
0x8: {  	[smem:$0x3FAA] =	sst s0  }
0x9: {  	[smem:$0x3FAB] =	sst s1  }
0xa: {  	[smem:$0x3FAC] =	sst s2  }
0xb: {  	[smem:$0x3FAD] =	sst s3  }
0xc: {  	[smem:$0x3FAE] =	sst s4  }
0xd: {  	[smem:$0x3FAF] =	sst s5  }
0xe: {  	[smem:$0x3FB0] =	sst s6  }
0xf: {  	[smem:$0x3FB1] =	sst s7  }
0x10: {  	[smem:$0x3FB2] =	sst s8  }
0x11: {  	[smem:$0x3FB3] =	sst s9;
	s0 =	simm.s32 @!p0 $0x0  }
0x12: {  	s1 =	sld [smem:$0x3F99];
	s0 =	simm.s32 @p0 $0x1  }
0x13: {  	[smem:$0x3FB4] =	sst s0;
	s0 =	simm.s32 @!p1 $0x0  }
0x14: {  	s2 =	sld [smem:$0x3F98];
	s0 =	simm.s32 @p1 $0x1  }
0x15: {  	[smem:$0x3FB5] =	sst s0;
	s0 =	simm.s32 @!p2 $0x0  }
0x16: {  	s3 =	sld [smem:$0x3FDB];
	s0 =	simm.s32 @p2 $0x1  }
0x17: {  	s4 =	simm.s32 $0x1BF5;
	[smem:$0x3FB7] =	sst s0  }
0x18: {  	s0 =	sld [smem:$0x3F9A];
	_ =	swait.ge [sflag:s4], $0x0  }
0x19: {  	s7 =	sld [smem:$0x3F9B]  }
0x1a: {  	s8 =	sadd.s32 $0xFFFFE003, lr  }
0x1b: {  	s9 =	sadd.s32 $0xFFFFFEF7, lr;
	s5 =	simm.s32 $0xFFFFFFFF;
	p2 =	slt.u32 s8, $0xFFFFF086  }
0x1c: {  	p1 =	slt.u32 s9, $0xF7A;
	s5 =	simm.s32 @!p2 $0x0  }
0x1d: {  	s5 =	simm.s32 @p1 $0x1;
	p0 =	seq.s32 s7, s2  }
0x1e: {  	s7 =	smul.u32 @!p0 $0xF7A, s2;
	p2 =	seq.s32 @!p0 s5, $0x0  }
0x1f: {  	s9 =	smul.u32 $0xF7A, s1;
	s8 =	simm.s32 @!p0 $0x1BF5;
	p2 =	por !p2, p0  }
0x20: {  	[sflag:s8] =	ssyncset.s32 @!p0 $0xFFFFF086;
	s6 =	sadd.s32 @!p0 s3, s7;
	s7 =	simm.s32 @!p0 $0x108  }
0x21: {  	s3 =	sadd.s32 s3, s9;
	s6 =	sadd.s32 @!p0 $0x88, s6;
	s7 =	simm.s32 @p2 $0x1082  }
0x22: {  	[simem:s7], [sflag:s8] =	dma.local @!p0 [hbm:s6], $0xF7A  }
0x23: {  	s9 =	sor.u32 $0xD0000000, s2;
	s6 =	simm.s32 $0x108;
	_ =	swait.ge @!p0 [sflag:s8], $0x0  }
0x24: {  	s3 =	sadd.s32 $0x88, s3;
	s6 =	simm.s32 @!p1 $0x1082;
	[sflag:s4] =	ssyncset.s32 $0xFFFFF086  }
0x25: {  	[simem:s6], [sflag:s4] =	dma.local [hbm:s3], $0xF7A  }
0x26: {  	[smem:$0x3F9B] =	sst s1;
	(tag) =	ssettag s2;
	_ =	strace s9  }
0x27: {  	s1 =	sld [smem:$0x3FAB]  }
0x28: {  	s2 =	sld [smem:$0x3FAC]  }
0x29: {  	s4 =	sld [smem:$0x3FAE]  }
0x2a: {  	p0 =	seq.s32 s5, $0x0;
	s5 =	sld [smem:$0x3FAF]  }
0x2b: {  	s6 =	sld [smem:$0x3FB0]  }
0x2c: {  	s7 =	sld [smem:$0x3FB1]  }
0x2d: {  	s3 =	simm.s32 $0x108;
	s8 =	sld [smem:$0x3FB2]  }
0x2e: {  	s3 =	simm.s32 @!p0 $0x1082;
	s9 =	sld [smem:$0x3FB3]  }
0x2f: {  	lr =	sadd.s32 s0, s3;
	s0 =	sld [smem:$0x3FAA]  }
0x30: {  	s3 =	sld [smem:$0x3FAD]  }
0x31: {  	[smem:$0x3FB6] =	sst s10  }
0x32: {  	s10 =	sld [smem:$0x3FB4];
	_ =	sdelay $0x3  }
0x33: {  	p0 =	seq.s32 s10, $0x1;
	s10 =	sld [smem:$0x3FB6];
	_ =	sdelay $0x3  }
0x34: {  	[smem:$0x3FB6] =	sst s10  }
0x35: {  	s10 =	sld [smem:$0x3FB5];
	_ =	sdelay $0x3  }
0x36: {  	p1 =	seq.s32 s10, $0x1;
	s10 =	sld [smem:$0x3FB6];
	_ =	sdelay $0x3  }
0x37: {  	[smem:$0x3FB6] =	sst s10  }
0x38: {  	s10 =	sld [smem:$0x3FB7]  }
0x39: {  	_ = 	snop;
	(pc) =	sbr.ind lr, $3  }
0x3a: {  	_ = 	snop  }
0x3b: {  	_ = 	snop  }
0x3c: {  	p2 =	seq.s32 s10, $0x1;
	s10 =	sld [smem:$0x3FB6]  }
0x3d: {  	_ =	shalt  }
0x3e: {  	_ =	shalt  }
0x3f: {  	_ =	shalt  }
0x40: {  	_ =	shalt  }
0x41: {  	_ =	shalt  }
0x42: {  	_ =	shalt  }
0x43: {  	_ =	shalt  }
0x44: {  	_ =	shalt  }
0x45: {  	_ =	shalt  }
0x46: {  	_ =	shalt  }
0x47: {  	_ =	shalt  }
0x48: {  	_ =	shalt  }
0x49: {  	_ =	shalt  }
0x4a: {  	_ =	shalt  }
0x4b: {  	_ =	shalt  }
0x4c: {  	_ =	shalt  }
0x4d: {  	_ =	shalt  }
0x4e: {  	_ =	shalt  }
0x4f: {  	_ =	shalt  }
0x50: {  	_ =	shalt  }
0x51: {  	_ =	shalt  }
0x52: {  	_ =	shalt  }
0x53: {  	_ =	shalt  }
0x54: {  	_ =	shalt  }
0x55: {  	_ =	shalt  }
0x56: {  	_ =	shalt  }
0x57: {  	_ =	shalt  }
0x58: {  	_ =	shalt  }
0x59: {  	_ =	shalt  }
0x5a: {  	_ =	shalt  }
0x5b: {  	_ =	shalt  }
0x5c: {  	_ =	shalt  }
0x5d: {  	_ =	shalt  }
0x5e: {  	_ =	shalt  }
0x5f: {  	_ =	shalt  }
0x60: {  	_ =	shalt  }
0x61: {  	_ =	shalt  }
0x62: {  	_ =	shalt  }
0x63: {  	_ =	shalt  }
0x64: {  	_ =	shalt  }
0x65: {  	_ =	shalt  }
0x66: {  	_ =	shalt  }
0x67: {  	_ =	shalt  }
0x68: {  	_ =	shalt  }
0x69: {  	_ =	shalt  }
0x6a: {  	_ =	shalt  }
0x6b: {  	_ =	shalt  }
0x6c: {  	_ =	shalt  }
0x6d: {  	_ =	shalt  }
0x6e: {  	_ =	shalt  }
0x6f: {  	_ =	shalt  }
0x70: {  	_ =	shalt  }
0x71: {  	_ =	shalt  }
0x72: {  	_ =	shalt  }
0x73: {  	_ =	shalt  }
0x74: {  	_ =	shalt  }
0x75: {  	_ =	shalt  }
0x76: {  	_ =	shalt  }
0x77: {  	_ =	shalt  }
0x78: {  	_ =	shalt  }
0x79: {  	_ =	shalt  }
0x7a: {  	_ =	shalt  }
0x7b: {  	_ =	shalt  }
0x7c: {  	_ =	shalt  }
0x7d: {  	_ =	shalt  }
0x7e: {  	_ =	shalt  }
0x7f: {  	_ =	shalt  }
0x80: {  	_ =	shalt  }
0x81: {  	_ =	shalt  }
0x82: {  	_ =	shalt  }
0x83: {  	_ =	shalt  }
0x84: {  	_ =	shalt  }
0x85: {  	_ =	shalt  }
0x86: {  	_ =	shalt  }
0x87: {  	_ =	shalt  }
.Lfunc_end0:
.L_simem_size_0:
called_computation.1_lowered:
.L_overlay_start_0:
0x88: {  	s2 =	sld [smem:$0x3FD9]  }
0x89: {  	s3 =	sld [smem:$0x3FFE];
	_ =	sdelay $0x1  }
0x8a: {  	s1 =	srdreg.scid  }
0x8b: {  	s0 =	sand.u32 $0x1, s1  }
0x8c: {  	s16 =	sshll.u32 s0, $0xA;
	s2 =	sadd.s32 s3, s2  }
0x8d: {  	s2 =	sadd.s32 s2, s16  }
0x8e: {  	[smem:$0x3FC2] =	sst s2  }
0x8f: {  	_ = 	snop  }
0x90: {  	(tm) =	ssettm $0x1  }
0x91: {  	s17 =	sld [smem:$0x3FFB];
	_ =	sdelay $0x3  }
0x92: {  	_ =	strace s17  }
0x93: {  	s2 =	sld [smem:$0x3FFC];
	_ =	sdelay $0x3  }
0x94: {  	_ =	strace s2  }
0x95: {  	s2 =	sld [smem:$0x3FFD];
	_ =	sdelay $0x3  }
0x96: {  	_ =	strace s2  }
0x97: {  	_ =	strace $0x8FFFFFFF  }
0x98: {  	s18 =	sld [smem:$0x3FDB];
	_ =	sdelay $0x1  }
0x99: {  	s19 =	simm.s32 $_scs_section_size  }
0x9a: {  	s4 =	simm.s32 $_size__tile_overlayer_lowered;
	s5 =	simm.s32 $_tile_overlayer_lowered  }
0x9b: {  	s22 =	simm.s32 $0x1BFF;
	s21 =	sshll.u32 s5, $0x1;
	s2 =	sadd.s32 s19, s18  }
0x9c: {  	s6 =	simm.s32 $0x0;
	s20 =	sshll.u32 s4, $0x1;
	s4 =	sadd.s32 s21, s2  }
0x9d: {  	[timem:s6], [sflag:s22] =	dma.local [hbm:s4], s20  }
0x9e: {  	_ =	swait.ge [sflag:s22], s20  }
0x9f: {  	s3 =	ssub.s32 $0x0, s20;
	[sflag:s22] =	ssyncset.done $0x0  }
0xa0: {  	[sflag:s22] =	ssyncadd.s32 s3;
	_ =	sdelay $0x1  }
0xa1: {  	s23 =	simm.s32 $0x1B8B  }
0xa2: {  	_ =	swait.ge [sflag:s23], $0x1  }
0xa3: {  	[sflag:s23] =	ssyncset.done $0x0  }
0xa4: {  	s25 =	simm.s32 $0x1B8E;
	s24 =	sld [smem:$0x3FFE];
	[sflag:s23] =	ssyncadd.s32 $0xFFFFFFFF  }
0xa5: {  	s26 =	simm.s32 $execute0_lowered;
	[smem:$0x3FD2] =	sst s25  }
0xa6: {  	s4 =	sshll.u32 s26, $0x1;
	_ =	strace $0x80000049;
	[dreg:$0x1] =	wrdreg $0xFFFFFFFF  }
0xa7: {  	s28 =	simm.s32 $_size_execute0_lowered;
	s2 =	sadd.s32 s2, s4;
	[dreg:$0x0] =	wrdreg $0x0  }
0xa8: {  	s4 =	sshll.u32 s28, $0x1;
	[dreg:$0x2] =	wrdreg s2  }
0xa9: {  	[dreg:$0x3] =	wrdreg s4  }
0xaa: {  	[dreg:$0x4] =	wrdreg $0xC0  }
0xab: {  	_ =	task [dreg:s6], $0x5FFFF  }
0xac: {  	[dreg:$0x1] =	wrdreg $0xFFFFFFFF  }
0xad: {  	[dreg:$0x0] =	wrdreg $0x60  }
0xae: {  	[dreg:$0x2] =	wrdreg s24  }
0xaf: {  	[dreg:$0x3] =	wrdreg $0x90000  }
0xb0: {  	[dreg:$0x4] =	wrdreg $0x9  }
0xb1: {  	_ =	task.clear_ibuf [dreg:s6], $0x5FFFF;
	_ =	strace $0x90000049  }
0xb2: {  	s29 =	simm.s32 $0x9;
	_ =	strace $0x8000004B  }
0xb3: {  	_ =	swait.ge [sflag:s29], $0x1  }
0xb4: {  	[sflag:s29] =	ssyncadd.s32 $0xFFFFFFFF  }
0xb5: {  	_ =	strace $0x9000004B  }
0xb6: {  	_ =	sfence  }
0xb7: {  	s30 =	sld [smem:$0x0];
	_ =	sdelay $0x2  }
0xb8: {  	s31 =	sshll.u32 s1, $0xD;
	s1 =	sshrl.u32 s1, $0x2  }
0xb9: {  	s3 =	sand.u32 $0x4000, s31;
	s1 =	sadd.s32 s1, s30  }
0xba: {  	s0 =	sor.u32 s3, s0;
	s1 =	sshll.u32 s1, $0x11  }
0xbb: {  	s0 =	sor.u32 s1, s0  }
0xbc: {  	s0 =	sadd.s32 $0x8F2B, s0  }
0xbd: {  	[sflag:s0] =	ssyncadd.remote.s32 $0x1  }
0xbe: {  	_ =	sfence.sel $0xFFFF  }
0xbf: {  	[dreg:$0x0] =	wrdreg $0xFFFFFFFF;
	(pc) =	sbr.abs _section_cstart, $3  }
0xc0: {  	[dreg:$0x1] =	wrdreg $0xFFFFFFFF  }
0xc1: {  	_ =	task.clear_ibuf [dreg:s6], $0x2FFFF;
	_ =	strace $0x9FFFFFFF  }
0xc2: {  	(tm) =	ssettm $0x7FFFFFFF  }
0xc3: {  	_ =	shalt  }
tec
execute0_lowered:
.L_overlay_start_1:
0x0: {  	(tag) =	ssettag $0x1  }
0x1: {  	s1 =	srdreg.scid;
	s6 =	rddreg [dreg:$0x0]  }
0x2: {  	s0 =	stileid.u32;
	s2 =	rddreg [dreg:$0x1]  }
0x3: {  	s3 =	simm.s32 $0x0;
	s14 =	simm.s32 $0x80;
	s15 =	simm.s32 $0x9  }
0x4: {  	s16 =	simm.s32 $0xA;
	s17 =	simm.s32 $0xB;
	s18 =	simm.s32 $0xC  }
0x5: {  	s19 =	simm.s32 $0xD;
	s20 =	simm.s32 $0xE;
	s21 =	simm.s32 $0xF  }
0x6: {  	s22 =	simm.s32 $0x10;
	s23 =	simm.s32 $0x0;
	s5 =	sand.u32 $0x1, s1  }
0x7: {  	s31 =	sshll.u32 s0, $0x1;
	s7 =	smul.u32 $0x2800, s0;
	[smem:$0x7FF] =	sst s3  }
0x8: {  	s12 =	sshll.u32 s0, $0x6;
	s1 =	sor.u32 s5, s31;
	s8 =	smul.u32 $0x28000, s5  }
0x9: {  	s5 =	ssub.s32 $0x2, s5;
	s12 =	sor.u32 $0x1C11, s12;
	s4 =	smul.u32 $0x500, s1  }
0xa: {  	s1 =	rddreg [dreg:$0x2];
	_ =	strace $0x8000004A;
	s10 =	sshrl.u32 s7, $0x3  }
0xb: {  	s11 =	sshrl.u32 s5, $0x1;
	s13 =	sadd.s32 s7, s2;
	s8 =	sadd.s32 s7, s8  }
.Ltmp0:
0xc: {  	s10 =	sadd.s32 s10, s6;
	s11 =	ssub.s32 s5, s11;
	(pc) =	sbr.rel .LBB2_1-.Ltmp0, $4  }
0xd: {  	s13 =	sshrl.u32 s13, $0x3;
	s9 =	sadd.s32 s4, s6;
	s4 =	sadd.s32 $0x15C00, s6  }
0xe: {  	s8 =	sshrl.u32 s8, $0x3;
	s7 =	sadd.s32 $0x1AC00, s10;
	s10 =	simm.s32 $0x11  }
0xf: {  	s8 =	sadd.s32 s8, s6;
	s5 =	sadd.s32 $0x1C00, s9;
	s6 =	sadd.s32 $0xBC00, s9  }
0x10: {  	s9 =	smax.u32 s11, $0x1;
	s11 =	simm.s32 $0x2800;
	s8 =	sadd.s32 $0x1FC00, s8  }
.LBB2_8:
0x11: {  	_ =	swait.ge [sflag:s15], $0x800  }
0x12: {  	[sflag:s15] =	ssyncset.done $0x0  }
0x13: {  	[sflag:s15] =	ssyncadd.s32 $0xFFFFF800  }
0x14: {  	_ =	swait.ge [sflag:s16], $0x800  }
0x15: {  	[sflag:s16] =	ssyncset.done $0x0  }
0x16: {  	[sflag:s16] =	ssyncadd.s32 $0xFFFFF800  }
0x17: {  	_ =	swait.ge [sflag:s17], $0x800  }
0x18: {  	[sflag:s17] =	ssyncset.done $0x0  }
0x19: {  	[sflag:s17] =	ssyncadd.s32 $0xFFFFF800  }
0x1a: {  	_ =	swait.ge [sflag:s18], $0x800  }
0x1b: {  	[sflag:s18] =	ssyncset.done $0x0  }
0x1c: {  	[sflag:s18] =	ssyncadd.s32 $0xFFFFF800  }
0x1d: {  	_ =	swait.ge [sflag:s19], $0x800  }
0x1e: {  	[sflag:s19] =	ssyncset.done $0x0  }
0x1f: {  	[sflag:s19] =	ssyncadd.s32 $0xFFFFF800  }
0x20: {  	_ =	swait.ge [sflag:s20], $0x800  }
0x21: {  	[sflag:s20] =	ssyncset.done $0x0  }
0x22: {  	[sflag:s20] =	ssyncadd.s32 $0xFFFFF800  }
0x23: {  	_ =	swait.ge [sflag:s21], $0x800  }
0x24: {  	[sflag:s21] =	ssyncset.done $0x0  }
0x25: {  	[sflag:s21] =	ssyncadd.s32 $0xFFFFF800  }
0x26: {  	_ =	swait.ge [sflag:s22], $0x800  }
0x27: {  	s23 =	sadd.s32 $0x1, s23;
	[sflag:s22] =	ssyncset.done $0x0  }
0x28: {  	p0 =	sne.s32 s23, s9;
	[sflag:s22] =	ssyncadd.s32 $0xFFFFF800  }
.Ltmp1:
0x29: {  	[bflag:$0x0] =	sbarrier.arrive $0xFFFF;
	(pc) =	sbr.rel @!p0 .LBB2_9-.Ltmp1, $4  }
0x2a: {  	[hbm:s8], [sflag:s12] =	dma.local [spmem:s13], $0x500  }
0x2b: {  	_ =	swait.ge [sflag:s10], $0x500  }
0x2c: {  	[sflag:s10] =	ssyncset.done $0x0  }
0x2d: {  	[sflag:s10] =	ssyncadd.s32 $0xFFFFFB00  }
.LBB2_1:
0x2e: {  	[tilespmem:s3], [sflag:$0x11] =	stream.linear.gather [hbm4b:s5+s3], $0x2800, $0x38;
	[tilespmem:$0xB800] =	vst v63  }
0x2f: {  	_ =	swait.ge [sflag:s10], $0x2800  }
0x30: {  	[sflag:s10] =	ssyncset.done $0x0  }
0x31: {  	[sflag:s10] =	ssyncadd.s32 $0xFFFFD800  }
0x32: {  	[tilespmem:s11], [sflag:$0x11] =	stream.linear.gather [hbm4b:s6+s3], $0x2800, $0x38;
	[tilespmem:$0xB800] =	vst v63  }
0x33: {  	_ =	swait.ge [sflag:s10], $0x2800  }
0x34: {  	[sflag:s10] =	ssyncset.done $0x0  }
0x35: {  	[sflag:s10] =	ssyncadd.s32 $0xFFFFD800  }
0x36: {  	[spmem:s13], [sflag:s12] =	dma.local [hbm:s7], $0x500  }
.Ltmp2:
0x37: {  	_ =	swait.ge [sflag:s10], $0x500;
	(pc) =	sbr.rel .LBB2_2-.Ltmp2, $4  }
0x38: {  	[sflag:s10] =	ssyncset.done $0x0  }
0x39: {  	[sflag:s10] =	ssyncadd.s32 $0xFFFFFB00  }
0x3a: {  	s24 =	simm.s32 $0x5000;
	[bflag:$0x0] =	sbarrier.arrive $0xFFFF  }
0x3b: {  	s25 =	simm.s32 $0x2600;
	s26 =	simm.s32 $0x0;
	s28 =	simm.s32 $0x0  }
.LBB2_4:
0x3c: {  	s30 =	sadd.s32 $0x9, s29  }
0x3d: {  	_ =	swait.ge [sflag:s30], $0x800  }
0x3e: {  	s31 =	sshll.u32 s29, $0xB;
	[sflag:s30] =	ssyncset.done $0x0  }
0x3f: {  	[sflag:s30] =	ssyncadd.s32 $0xFFFFF800;
	s30 =	sadd.s32 $0x5000, s31;
	s31 =	sadd.s32 $0x1, s29  }
0x40: {  	[tilespmem:s30], [sflag:s31] =	stream.indirect.gather [hbm4b:s4+s14], $0x10, s26, s14, $0xb8;
	[tilespmem:$0xB800] =	vst v63  }
.LBB2_6:
0x41: {  	s29 =	sadd.s32 $0xFFFFFFFC, s28  }
0x42: {  	s29 =	sand.u32 $0x7, s29  }
0x43: {  	s30 =	sadd.s32 $0x1, s29  }
0x44: {  	_ =	swait.ge [sflag:s30], $0x800  }
0x45: {  	s31 =	sshll.u32 s29, $0xB;
	[sflag:s30] =	ssyncset.done $0x0  }
0x46: {  	s29 =	sadd.s32 $0x9, s29;
	s31 =	sadd.s32 $0x5000, s31;
	[sflag:s30] =	ssyncadd.s32 $0xFFFFF800  }
0x47: {  	[spmem:s2] =	stream.indirect.scatter.add.f32 [tilespmem:s31], [sflag:s29], $0x10, s25, s14, $0xb8;
	[tilespmem:$0xB800] =	vst v63  }
.LBB2_7:
0x48: {  	s28 =	sadd.s32 $0x1, s28  }
0x49: {  	p0 =	sne.s32 s28, $0x54  }
.Ltmp3:
0x4a: {  	_ = 	snop;
	(pc) =	sbr.rel @!p0 .LBB2_8-.Ltmp3, $2  }
0x4b: {  	_ =	sdelay $0x2  }
0x4c: {  	s24 =	sadd.s32 $0x800, s24;
	s26 =	sadd.s32 $0x80, s26;
	s25 =	sadd.s32 $0x80, s25  }
.LBB2_2:
0x4d: {  	p0 =	sgt.u32 s28, $0x4F  }
.Ltmp4:
0x4e: {  	_ = 	snop;
	(pc) =	sbr.rel @p0 .LBB2_6-.Ltmp4, $1  }
0x4f: {  	_ =	sdelay $0x3  }
0x50: {  	p0 =	slt.u32 s28, $0x8  }
.Ltmp5:
0x51: {  	_ = 	snop;
	(pc) =	sbr.rel @!p0 .LBB2_4-.Ltmp5, $2  }
0x52: {  	_ =	sdelay $0x2  }
0x53: {  	s29 =	sand.u32 $0x7, s28  }
0x54: {  	p0 =	slt.u32 s28, $0x4  }
.Ltmp6:
0x55: {  	_ = 	snop;
	(pc) =	sbr.rel @p0 .LBB2_7-.Ltmp6, $4  }
.Ltmp7:
0x56: {  	_ = 	snop;
	(pc) =	sbr.rel @!p0 .LBB2_6-.Ltmp7, $4  }
0x57: {  	_ = 	snop  }
0x58: {  	s29 =	sadd.s32 $0x1, s29  }
0x59: {  	[tilespmem:s24], [sflag:s29] =	stream.indirect.gather [hbm4b:s4+s14], $0x10, s26, s14, $0xb8;
	[tilespmem:$0xB800] =	vst v63  }
0x5a: {  	_ = 	snop  }
.LBB2_9:
0x5b: {  	_ =	sfence.sel $0x180000  }
0x5c: {  	[bflag:$0x0] =	sbarrier.arrive $0xFFFF  }
0x5d: {  	p0 =	sne.s32 s0, $0x0;
	_ =	strace $0x9000004A  }
0x5e: {  	s0 =	sadd.s32 @!p0 $0x100000, s1;
	[bflag:$0x2] =	sbarrier.arrive $0xFFFF  }
0x5f: {  	[sflag:s0] =	ssyncadd.tile.s32 @!p0 $0x1;
	_ =	shalt  }
.Lfunc_end2:
_tile_overlayer_lowered:
.L_overlay_start_2:
0x60: {  	(tag) =	ssettag $0x2  }
0x61: {  	s0 =	rddreg [dreg:$0x0];
	s2 =	stileid.u32  }
0x62: {  	s1 =	rddreg [dreg:$0x1];
	p0 =	sne.s32 s2, $0x0  }
0x63: {  	s3 =	rddreg [dreg:$0x2];
	[bflag:$0x3] =	sbarrier.arrive $0xFFFF;
	s2 =	simm.s32 @!p0 $0x1C11  }
0x64: {  	[timem:s3], [sflag:s2] =	dma.local @!p0 [hbm:s0], s1  }
0x65: {  	s0 =	simm.s32 @!p0 $0x11  }
0x66: {  	_ =	swait.ge @!p0 [sflag:s0], s1  }
0x67: {  	s1 =	ssub.s32 @!p0 $0x0, s1;
	[sflag:s0] =	ssyncset.done @!p0 $0x0  }
0x68: {  	[sflag:s0] =	ssyncadd.s32 @!p0 s1  }
0x69: {  	[bflag:$0x3] =	sbarrier.arrive $0xFFFF  }
0x6a: {  	_ =	shalt  }

// kernel: kernel.14.cloned.1.call-start
scs
__scs_entry_jumppad:
0x0: {  	(pc) =	sbr.rel $0x88, $3  }
0x1: {  	(tag) =	ssettag $0x0;
	lr =	simm.s32 $0x1  }
0x2: {  	[smem:$0x3F9B] =	sst lr;
	_ =	strace $0xD0000000  }
0x3: {  	_ = 	snop  }
0x4: {  	_ = 	snop  }
0x5: {  	_ = 	snop  }
0x6: {  	_ = 	snop  }
0x7: {  	_ = 	snop  }
__scs_overlays_trampoline_lowered:
0x8: {  	[smem:$0x3FAA] =	sst s0  }
0x9: {  	[smem:$0x3FAB] =	sst s1  }
0xa: {  	[smem:$0x3FAC] =	sst s2  }
0xb: {  	[smem:$0x3FAD] =	sst s3  }
0xc: {  	[smem:$0x3FAE] =	sst s4  }
0xd: {  	[smem:$0x3FAF] =	sst s5  }
0xe: {  	[smem:$0x3FB0] =	sst s6  }
0xf: {  	[smem:$0x3FB1] =	sst s7  }
0x10: {  	[smem:$0x3FB2] =	sst s8  }
0x11: {  	[smem:$0x3FB3] =	sst s9;
	s0 =	simm.s32 @!p0 $0x0  }
0x12: {  	s1 =	sld [smem:$0x3F99];
	s0 =	simm.s32 @p0 $0x1  }
0x13: {  	[smem:$0x3FB4] =	sst s0;
	s0 =	simm.s32 @!p1 $0x0  }
0x14: {  	s2 =	sld [smem:$0x3F98];
	s0 =	simm.s32 @p1 $0x1  }
0x15: {  	[smem:$0x3FB5] =	sst s0;
	s0 =	simm.s32 @!p2 $0x0  }
0x16: {  	s3 =	sld [smem:$0x3FDB];
	s0 =	simm.s32 @p2 $0x1  }
0x17: {  	s4 =	simm.s32 $0x1BF5;
	[smem:$0x3FB7] =	sst s0  }
0x18: {  	s0 =	sld [smem:$0x3F9A];
	_ =	swait.ge [sflag:s4], $0x0  }
0x19: {  	s7 =	sld [smem:$0x3F9B]  }
0x1a: {  	s8 =	sadd.s32 $0xFFFFE003, lr  }
0x1b: {  	s9 =	sadd.s32 $0xFFFFFEF7, lr;
	s5 =	simm.s32 $0xFFFFFFFF;
	p2 =	slt.u32 s8, $0xFFFFF086  }
0x1c: {  	p1 =	slt.u32 s9, $0xF7A;
	s5 =	simm.s32 @!p2 $0x0  }
0x1d: {  	s5 =	simm.s32 @p1 $0x1;
	p0 =	seq.s32 s7, s2  }
0x1e: {  	s7 =	smul.u32 @!p0 $0xF7A, s2;
	p2 =	seq.s32 @!p0 s5, $0x0  }
0x1f: {  	s9 =	smul.u32 $0xF7A, s1;
	s8 =	simm.s32 @!p0 $0x1BF5;
	p2 =	por !p2, p0  }
0x20: {  	[sflag:s8] =	ssyncset.s32 @!p0 $0xFFFFF086;
	s6 =	sadd.s32 @!p0 s3, s7;
	s7 =	simm.s32 @!p0 $0x108  }
0x21: {  	s3 =	sadd.s32 s3, s9;
	s6 =	sadd.s32 @!p0 $0x88, s6;
	s7 =	simm.s32 @p2 $0x1082  }
0x22: {  	[simem:s7], [sflag:s8] =	dma.local @!p0 [hbm:s6], $0xF7A  }
0x23: {  	s9 =	sor.u32 $0xD0000000, s2;
	s6 =	simm.s32 $0x108;
	_ =	swait.ge @!p0 [sflag:s8], $0x0  }
0x24: {  	s3 =	sadd.s32 $0x88, s3;
	s6 =	simm.s32 @!p1 $0x1082;
	[sflag:s4] =	ssyncset.s32 $0xFFFFF086  }
0x25: {  	[simem:s6], [sflag:s4] =	dma.local [hbm:s3], $0xF7A  }
0x26: {  	[smem:$0x3F9B] =	sst s1;
	(tag) =	ssettag s2;
	_ =	strace s9  }
0x27: {  	s1 =	sld [smem:$0x3FAB]  }
0x28: {  	s2 =	sld [smem:$0x3FAC]  }
0x29: {  	s4 =	sld [smem:$0x3FAE]  }
0x2a: {  	p0 =	seq.s32 s5, $0x0;
	s5 =	sld [smem:$0x3FAF]  }
0x2b: {  	s6 =	sld [smem:$0x3FB0]  }
0x2c: {  	s7 =	sld [smem:$0x3FB1]  }
0x2d: {  	s3 =	simm.s32 $0x108;
	s8 =	sld [smem:$0x3FB2]  }
0x2e: {  	s3 =	simm.s32 @!p0 $0x1082;
	s9 =	sld [smem:$0x3FB3]  }
0x2f: {  	lr =	sadd.s32 s0, s3;
	s0 =	sld [smem:$0x3FAA]  }
0x30: {  	s3 =	sld [smem:$0x3FAD]  }
0x31: {  	[smem:$0x3FB6] =	sst s10  }
0x32: {  	s10 =	sld [smem:$0x3FB4];
	_ =	sdelay $0x3  }
0x33: {  	p0 =	seq.s32 s10, $0x1;
	s10 =	sld [smem:$0x3FB6];
	_ =	sdelay $0x3  }
0x34: {  	[smem:$0x3FB6] =	sst s10  }
0x35: {  	s10 =	sld [smem:$0x3FB5];
	_ =	sdelay $0x3  }
0x36: {  	p1 =	seq.s32 s10, $0x1;
	s10 =	sld [smem:$0x3FB6];
	_ =	sdelay $0x3  }
0x37: {  	[smem:$0x3FB6] =	sst s10  }
0x38: {  	s10 =	sld [smem:$0x3FB7]  }
0x39: {  	_ = 	snop;
	(pc) =	sbr.ind lr, $3  }
0x3a: {  	_ = 	snop  }
0x3b: {  	_ = 	snop  }
0x3c: {  	p2 =	seq.s32 s10, $0x1;
	s10 =	sld [smem:$0x3FB6]  }
0x3d: {  	_ =	shalt  }
0x3e: {  	_ =	shalt  }
0x3f: {  	_ =	shalt  }
0x40: {  	_ =	shalt  }
0x41: {  	_ =	shalt  }
0x42: {  	_ =	shalt  }
0x43: {  	_ =	shalt  }
0x44: {  	_ =	shalt  }
0x45: {  	_ =	shalt  }
0x46: {  	_ =	shalt  }
0x47: {  	_ =	shalt  }
0x48: {  	_ =	shalt  }
0x49: {  	_ =	shalt  }
0x4a: {  	_ =	shalt  }
0x4b: {  	_ =	shalt  }
0x4c: {  	_ =	shalt  }
0x4d: {  	_ =	shalt  }
0x4e: {  	_ =	shalt  }
0x4f: {  	_ =	shalt  }
0x50: {  	_ =	shalt  }
0x51: {  	_ =	shalt  }
0x52: {  	_ =	shalt  }
0x53: {  	_ =	shalt  }
0x54: {  	_ =	shalt  }
0x55: {  	_ =	shalt  }
0x56: {  	_ =	shalt  }
0x57: {  	_ =	shalt  }
0x58: {  	_ =	shalt  }
0x59: {  	_ =	shalt  }
0x5a: {  	_ =	shalt  }
0x5b: {  	_ =	shalt  }
0x5c: {  	_ =	shalt  }
0x5d: {  	_ =	shalt  }
0x5e: {  	_ =	shalt  }
0x5f: {  	_ =	shalt  }
0x60: {  	_ =	shalt  }
0x61: {  	_ =	shalt  }
0x62: {  	_ =	shalt  }
0x63: {  	_ =	shalt  }
0x64: {  	_ =	shalt  }
0x65: {  	_ =	shalt  }
0x66: {  	_ =	shalt  }
0x67: {  	_ =	shalt  }
0x68: {  	_ =	shalt  }
0x69: {  	_ =	shalt  }
0x6a: {  	_ =	shalt  }
0x6b: {  	_ =	shalt  }
0x6c: {  	_ =	shalt  }
0x6d: {  	_ =	shalt  }
0x6e: {  	_ =	shalt  }
0x6f: {  	_ =	shalt  }
0x70: {  	_ =	shalt  }
0x71: {  	_ =	shalt  }
0x72: {  	_ =	shalt  }
0x73: {  	_ =	shalt  }
0x74: {  	_ =	shalt  }
0x75: {  	_ =	shalt  }
0x76: {  	_ =	shalt  }
0x77: {  	_ =	shalt  }
0x78: {  	_ =	shalt  }
0x79: {  	_ =	shalt  }
0x7a: {  	_ =	shalt  }
0x7b: {  	_ =	shalt  }
0x7c: {  	_ =	shalt  }
0x7d: {  	_ =	shalt  }
0x7e: {  	_ =	shalt  }
0x7f: {  	_ =	shalt  }
0x80: {  	_ =	shalt  }
0x81: {  	_ =	shalt  }
0x82: {  	_ =	shalt  }
0x83: {  	_ =	shalt  }
0x84: {  	_ =	shalt  }
0x85: {  	_ =	shalt  }
0x86: {  	_ =	shalt  }
0x87: {  	_ =	shalt  }
.Lfunc_end0:
.L_simem_size_0:
called_computation.2_lowered:
.L_overlay_start_0:
0x88: {  	s2 =	sld [smem:$0x3FD9]  }
0x89: {  	s3 =	sld [smem:$0x3FFE];
	_ =	sdelay $0x1  }
0x8a: {  	s1 =	srdreg.scid  }
0x8b: {  	s0 =	sand.u32 $0x1, s1  }
0x8c: {  	s17 =	sshll.u32 s0, $0xA;
	s2 =	sadd.s32 s3, s2  }
0x8d: {  	s2 =	sadd.s32 s2, s17  }
0x8e: {  	[smem:$0x3FC2] =	sst s2  }
0x8f: {  	_ = 	snop  }
0x90: {  	s2 =	sld [smem:$0x3FC6];
	(tm) =	ssettm $0x1  }
0x91: {  	s18 =	sld [smem:$0x3FFB];
	_ =	sdelay $0x3  }
0x92: {  	_ =	strace s18  }
0x93: {  	s3 =	sld [smem:$0x3FFC];
	_ =	sdelay $0x3  }
0x94: {  	_ =	strace s3  }
0x95: {  	s3 =	sld [smem:$0x3FFD];
	_ =	sdelay $0x3  }
0x96: {  	_ =	strace s3  }
0x97: {  	_ =	strace $0x8FFFFFFF  }
0x98: {  	s19 =	sld [smem:$0x3FDB];
	_ =	sdelay $0x1  }
0x99: {  	s4 =	simm.s32 $_scs_section_size  }
0x9a: {  	s5 =	simm.s32 $_size__tile_overlayer_lowered;
	s6 =	simm.s32 $_tile_overlayer_lowered  }
0x9b: {  	s22 =	simm.s32 $0x1BFF;
	s21 =	sshll.u32 s6, $0x1;
	s3 =	sadd.s32 s4, s19  }
0x9c: {  	s7 =	simm.s32 $0x0;
	s20 =	sshll.u32 s5, $0x1;
	s5 =	sadd.s32 s21, s3  }
0x9d: {  	[timem:s7], [sflag:s22] =	dma.local [hbm:s5], s20  }
0x9e: {  	_ =	swait.ge [sflag:s22], s20  }
0x9f: {  	s4 =	ssub.s32 $0x0, s20;
	[sflag:s22] =	ssyncset.done $0x0  }
0xa0: {  	[sflag:s22] =	ssyncadd.s32 s4;
	_ =	sdelay $0x1  }
0xa1: {  	s23 =	simm.s32 $0x1B8B  }
0xa2: {  	_ =	swait.ge [sflag:s23], $0x1  }
0xa3: {  	[sflag:s23] =	ssyncset.done $0x0  }
0xa4: {  	s25 =	simm.s32 $0x1B8E;
	s24 =	sld [smem:$0x3FFE];
	[sflag:s23] =	ssyncadd.s32 $0xFFFFFFFF  }
0xa5: {  	s26 =	simm.s32 $execute0_lowered;
	[smem:$0x3FD2] =	sst s25  }
0xa6: {  	s5 =	sshll.u32 s26, $0x1;
	_ =	strace $0x8000004C;
	[dreg:$0x1] =	wrdreg $0xFFFFFFFF  }
0xa7: {  	s28 =	simm.s32 $_size_execute0_lowered;
	s3 =	sadd.s32 s3, s5;
	[dreg:$0x0] =	wrdreg $0x0  }
0xa8: {  	s5 =	sshll.u32 s28, $0x1;
	[dreg:$0x2] =	wrdreg s3  }
0xa9: {  	[dreg:$0x3] =	wrdreg s5  }
0xaa: {  	[dreg:$0x4] =	wrdreg $0xC0  }
0xab: {  	_ =	task [dreg:s7], $0x5FFFF  }
0xac: {  	[dreg:$0x1] =	wrdreg $0xFFFFFFFF  }
0xad: {  	[dreg:$0x0] =	wrdreg $0x60  }
0xae: {  	[dreg:$0x2] =	wrdreg s24  }
0xaf: {  	[dreg:$0x3] =	wrdreg s2  }
0xb0: {  	[dreg:$0x4] =	wrdreg $0x130100  }
0xb1: {  	[dreg:$0x5] =	wrdreg $0x9  }
0xb2: {  	_ =	task.clear_ibuf [dreg:s7], $0x6FFFF;
	_ =	strace $0x9000004C  }
0xb3: {  	s29 =	simm.s32 $0x9;
	_ =	strace $0x8000004E  }
0xb4: {  	_ =	swait.ge [sflag:s29], $0x1  }
0xb5: {  	[sflag:s29] =	ssyncadd.s32 $0xFFFFFFFF  }
0xb6: {  	_ =	strace $0x9000004E  }
0xb7: {  	_ =	sfence  }
0xb8: {  	s30 =	sld [smem:$0x0];
	_ =	sdelay $0x2  }
0xb9: {  	s31 =	sshll.u32 s1, $0xD;
	s1 =	sshrl.u32 s1, $0x2  }
0xba: {  	s3 =	sand.u32 $0x4000, s31;
	s1 =	sadd.s32 s1, s30  }
0xbb: {  	s0 =	sor.u32 s3, s0;
	s1 =	sshll.u32 s1, $0x11  }
0xbc: {  	s0 =	sor.u32 s1, s0  }
0xbd: {  	s0 =	sadd.s32 $0x8F2B, s0  }
0xbe: {  	[sflag:s0] =	ssyncadd.remote.s32 $0x1  }
0xbf: {  	_ =	sfence.sel $0xFFFF  }
0xc0: {  	[dreg:$0x0] =	wrdreg $0xFFFFFFFF;
	(pc) =	sbr.abs _section_cstart, $3  }
0xc1: {  	[dreg:$0x1] =	wrdreg $0xFFFFFFFF  }
0xc2: {  	_ =	task.clear_ibuf [dreg:s7], $0x2FFFF;
	_ =	strace $0x9FFFFFFF  }
0xc3: {  	(tm) =	ssettm $0x7FFFFFFF  }
tec
execute0_lowered:
.L_overlay_start_1:
0x0: {  	(tag) =	ssettag $0x1  }
0x1: {  	s0 =	srdreg.scid  }
0x2: {  	s5 =	stileid.u32;
	s1 =	rddreg [dreg:$0x0]  }
0x3: {  	s3 =	rddreg [dreg:$0x2];
	s4 =	simm.s32 $0x0;
	s17 =	simm.s32 $0x11  }
0x4: {  	s20 =	simm.s32 $0x7810;
	s28 =	simm.s32 $0xB;
	s29 =	simm.s32 $0xC  }
0x5: {  	s30 =	simm.s32 $0xD;
	s31 =	simm.s32 $0xE;
	s0 =	sand.u32 $0x1, s0  }
0x6: {  	s2 =	sshll.u32 s5, $0x1;
	s11 =	smul.u32 $0x2800, s5;
	[smem:$0x7FF] =	sst s4  }
0x7: {  	s2 =	sor.u32 s0, s2;
	s13 =	smul.u32 $0x28000, s0;
	_ =	strace $0x8000004D  }
0x8: {  	s0 =	ssub.s32 $0x2, s0;
	s2 =	smul.u32 $0x500, s2;
	s5 =	sshrl.u32 s11, $0x3  }
0x9: {  	s23 =	sshrl.u32 s0, $0x1;
	s6 =	sadd.s32 s11, s13;
	s12 =	sadd.s32 s5, s1  }
0xa: {  	s0 =	ssub.s32 s0, s23;
	s11 =	sadd.s32 s11, s3;
	s26 =	sshrl.u32 s13, $0x3  }
0xb: {  	s2 =	sadd.s32 s2, s1;
	s14 =	sshrl.u32 s6, $0x3;
	s25 =	sadd.s32 $0x1FC00, s12  }
0xc: {  	s8 =	sadd.s32 $0x24C00, s12;
	s9 =	sadd.s32 $0x15C00, s12;
	s10 =	sadd.s32 $0x29C00, s12  }
0xd: {  	s12 =	sadd.s32 $0x1AC00, s12;
	s16 =	smax.u32 s0, $0x1;
	s0 =	simm.s32 $0x0  }
0xe: {  	s15 =	sadd.s32 s14, s1;
	s24 =	sadd.s32 $0x1C00, s2;
	[dreg:$0x6] =	wrdreg s25  }
0xf: {  	s1 =	sadd.s32 $0x2EC00, s1;
	s2 =	sadd.s32 $0xBC00, s2;
	[dreg:$0x4] =	wrdreg s24  }
0x10: {  	s25 =	simm.s32 $0x9;
	[dreg:$0x5] =	wrdreg s2;
	s13 =	sadd.s32 s1, s14  }
0x11: {  	s14 =	sadd.s32 s1, s26;
	s15 =	sadd.s32 $0x38C00, s15;
	s24 =	simm.s32 $0x80  }
0x12: {  	s26 =	simm.s32 $0xA;
	s1 =	simm.s32 $0xF;
	s2 =	simm.s32 $0x10  }
.LBB2_1:
0x13: {  	s5 =	rddreg [dreg:$0x4]  }
0x14: {  	[tilespmem:s4], [sflag:$0x11] =	stream.linear.gather [hbm4b:s5+s4], $0x2800, $0x38;
	[tilespmem:$0x15810] =	vst v63  }
0x15: {  	_ =	swait.ge [sflag:s17], $0x2800  }
0x16: {  	[sflag:s17] =	ssyncset.done $0x0  }
0x17: {  	s6 =	simm.s32 $0x2800;
	s23 =	rddreg [dreg:$0x5];
	[sflag:s17] =	ssyncadd.s32 $0xFFFFD800  }
0x18: {  	[tilespmem:s6], [sflag:$0x11] =	stream.linear.gather [hbm4b:s23+s4], $0x2800, $0x38;
	[tilespmem:$0x15810] =	vst v63  }
0x19: {  	_ =	swait.ge [sflag:s17], $0x2800  }
0x1a: {  	[sflag:s17] =	ssyncset.done $0x0  }
0x1b: {  	[sflag:s17] =	ssyncadd.s32 $0xFFFFD800  }
0x1c: {  	s7 =	simm.s32 $0x5000;
	s6 =	rddreg [dreg:$0x1]  }
0x1d: {  	[tilespmem:s7], [sflag:$0x11] =	stream.linear.gather [hbm4b:s6+s4], $0x10, $0x38;
	[tilespmem:$0x15810] =	vst v63  }
0x1e: {  	_ =	swait.ge [sflag:s17], $0x10  }
0x1f: {  	[sflag:s17] =	ssyncset.done $0x0  }
0x20: {  	s18 =	rddreg [dreg:$0x6];
	[sflag:s17] =	ssyncadd.s32 $0xFFFFFFF0  }
0x21: {  	[tilespmem:s20], [sflag:$0x11] =	stream.linear.gather [hbm4b:s18+s4], $0x2800, $0x38;
	[tilespmem:$0x15810] =	vst v63  }
0x22: {  	_ =	swait.ge [sflag:s17], $0x2800  }
0x23: {  	[sflag:s17] =	ssyncset.done $0x0  }
0x24: {  	s19 =	simm.s32 $0xA010;
	[sflag:s17] =	ssyncadd.s32 $0xFFFFD800  }
0x25: {  	[tilespmem:s19], [sflag:$0x11] =	stream.linear.gather [hbm4b:s8+s4], $0x2800, $0x38;
	[tilespmem:$0x15810] =	vst v63  }
0x26: {  	_ =	swait.ge [sflag:s17], $0x2800  }
0x27: {  	[sflag:s17] =	ssyncset.done $0x0  }
0x28: {  	s21 =	simm.s32 $0xC810;
	[sflag:s17] =	ssyncadd.s32 $0xFFFFD800  }
0x29: {  	[tilespmem:s21], [sflag:$0x11] =	stream.linear.gather [hbm4b:s9+s4], $0x2800, $0x38;
	[tilespmem:$0x15810] =	vst v63  }
0x2a: {  	_ =	swait.ge [sflag:s17], $0x2800  }
0x2b: {  	[sflag:s17] =	ssyncset.done $0x0  }
0x2c: {  	s22 =	simm.s32 $0x5010;
	[sflag:s17] =	ssyncadd.s32 $0xFFFFD800  }
0x2d: {  	[tilespmem:s22], [sflag:$0x11] =	stream.linear.gather [hbm4b:s10+s4], $0x2800, $0x38;
	[tilespmem:$0x15810] =	vst v63  }
0x2e: {  	s23 =	stileid.u32;
	_ =	swait.ge [sflag:s17], $0x2800  }
0x2f: {  	s18 =	sshll.u32 s23, $0x6;
	[sflag:s17] =	ssyncset.done $0x0  }
0x30: {  	s18 =	sor.u32 $0x1C11, s18;
	s19 =	sshrl.u32 s11, $0x3;
	[sflag:s17] =	ssyncadd.s32 $0xFFFFD800  }
0x31: {  	[spmem:s19], [sflag:s18] =	dma.local [hbm:s12], $0x500  }
0x32: {  	_ =	swait.ge [sflag:s17], $0x500  }
0x33: {  	[sflag:s17] =	ssyncset.done $0x0  }
0x34: {  	[sflag:s17] =	ssyncadd.s32 $0xFFFFFB00  }
0x35: {  	s21 =	simm.s32 $0x0;
	v0 =	vld [tilespmem:$0x5000]  }
0x36: {  	s22 =	simm.s32 $0x40;
	v1 =	vld [tilespmem:s21+$0xA010]  }
.LBB2_2:
0x37: {  	p0 =	sne.s32 s22, $0x9FC0;
	v2 =	vld [tilespmem:s21+$0x7810];
	_ =	sdelay $0x1  }
0x38: {  	v3 =	vld [tilespmem:s21+$0xC810];
	_ =	sdelay $0x1  }
0x39: {  	v4 =	vld [tilespmem:s21+$0x5010]  }
0x3a: {  	v1 =	vadd.f32 v1, v2;
	_ =	sdelay $0x1  }
0x3b: {  	v1 =	vadd.f32 v3, v1;
	_ =	sdelay $0x1  }
0x3c: {  	v1 =	vmul.f32 v1, v4;
	_ =	sdelay $0x1  }
0x3d: {  	v1 =	vadd.f32 v1, v0  }
.Ltmp0:
0x3e: {  	(pc) =	sbr.rel @p0 .LBB2_2-.Ltmp0, $4  }
0x3f: {  	v1 =	vmax.f32 v1, $0.0e+00  }
0x40: {  	v2 =	vmul.f32 v1, v4  }
0x41: {  	s23 =	sshra.s32 s22, $0x2  }
0x42: {  	s22 =	sadd.s32 $0x40, s22;
	v1 =	vld [tilespmem:s23+$0xA010];
	[tilespmem:s21+$0x7810] =	vst v2;
	s21 =	smov.u32 s23  }
0x43: {  	v2 =	vld [tilespmem:s21+$0x7810];
	_ =	sdelay $0x1  }
0x44: {  	v3 =	vld [tilespmem:s21+$0xC810];
	_ =	sdelay $0x1  }
0x45: {  	v4 =	vld [tilespmem:s21+$0x5010]  }
0x46: {  	v1 =	vadd.f32 v1, v2;
	_ =	sdelay $0x1  }
0x47: {  	v1 =	vadd.f32 v3, v1;
	_ =	sdelay $0x1  }
0x48: {  	v1 =	vmul.f32 v1, v4;
	_ =	sdelay $0x1  }
0x49: {  	v0 =	vadd.f32 v1, v0;
	_ =	sdelay $0x1  }
0x4a: {  	v0 =	vmax.f32 v0, $0.0e+00  }
0x4b: {  	v0 =	vmul.f32 v0, v4;
	_ =	sdelay $0x1  }
0x4c: {  	[tilespmem:s21+$0x7810] =	vst v0;
	s21 =	simm.s32 $0x0  }
0x4d: {  	[hbm4b:s13+s21] =	stream.linear.scatter [tilespmem:s20], [sflag:$0x11], $0x2800, $0x38;
	[tilespmem:$0x15810] =	vst v63  }
0x4e: {  	_ =	swait.ge [sflag:s17], $0x2800  }
0x4f: {  	[sflag:s17] =	ssyncset.done $0x0  }
0x50: {  	[sflag:s17] =	ssyncadd.s32 $0xFFFFD800  }
0x51: {  	s22 =	simm.s32 $0x2600;
	s23 =	simm.s32 $0x0;
	[bflag:$0x0] =	sbarrier.arrive $0xFFFF  }
.LBB2_4:
0x52: {  	p0 =	sgt.u32 s23, $0x4F  }
0x53: {  	p1 =	slt.u32 @!p0 s23, $0x8  }
0x54: {  	s5 =	sand.u32 @!p0 $0x7, s23;
	p1 =	por p1, p0  }
0x55: {  	s6 =	sadd.s32 @!p1 $0x9, s5  }
0x56: {  	_ =	swait.ge @!p1 [sflag:s6], $0x800  }
0x57: {  	[sflag:s6] =	ssyncset.done @!p1 $0x0  }
0x58: {  	s7 =	simm.s32 @!p0 $0x80;
	[sflag:s6] =	ssyncadd.s32 @!p1 $0xFFFFF800;
	s6 =	sshll.u32 @!p0 s5, $0xB  }
0x59: {  	s5 =	sadd.s32 @!p0 $0x1, s5;
	p1 =	slt.u32 @!p0 s23, $0x4;
	s6 =	sadd.s32 @!p0 $0xF010, s6  }
0x5a: {  	[tilespmem:s6], [sflag:s5] =	stream.indirect.gather @!p0 [hbm4b:s14+s7], $0x10, s21, s7, $0xb8;
	[tilespmem:$0x15810] =	vst v63  }
0x5b: {  	p0 =	por p0, !p1  }
0x5c: {  	s5 =	sadd.s32 @p0 $0xFFFFFFFC, s23  }
0x5d: {  	s5 =	sand.u32 @p0 $0x7, s5  }
0x5e: {  	s6 =	sadd.s32 @p0 $0x1, s5  }
0x5f: {  	_ =	swait.ge @p0 [sflag:s6], $0x800  }
0x60: {  	s23 =	sadd.s32 $0x1, s23;
	s7 =	sshll.u32 @p0 s5, $0xB;
	[sflag:s6] =	ssyncset.done @p0 $0x0  }
0x61: {  	s5 =	sadd.s32 @p0 $0x9, s5;
	s7 =	sadd.s32 @p0 $0xF010, s7;
	[sflag:s6] =	ssyncadd.s32 @p0 $0xFFFFF800  }
0x62: {  	[spmem:s3] =	stream.indirect.scatter.add.f32 @p0 [tilespmem:s7], [sflag:s5], $0x10, s22, s24, $0xb8;
	[tilespmem:$0x15810] =	vst v63  }
0x63: {  	p0 =	sne.s32 s23, $0x54  }
.Ltmp1:
0x64: {  	_ = 	snop;
	(pc) =	sbr.rel @p0 .LBB2_4-.Ltmp1, $2  }
0x65: {  	_ =	sdelay $0x2  }
0x66: {  	s21 =	sadd.s32 $0x80, s21;
	s22 =	sadd.s32 $0x80, s22  }
0x67: {  	_ =	swait.ge [sflag:s25], $0x800  }
0x68: {  	[sflag:s25] =	ssyncset.done $0x0  }
0x69: {  	[sflag:s25] =	ssyncadd.s32 $0xFFFFF800  }
0x6a: {  	_ =	swait.ge [sflag:s26], $0x800  }
0x6b: {  	[sflag:s26] =	ssyncset.done $0x0  }
0x6c: {  	[sflag:s26] =	ssyncadd.s32 $0xFFFFF800  }
0x6d: {  	_ =	swait.ge [sflag:s28], $0x800  }
0x6e: {  	[sflag:s28] =	ssyncset.done $0x0  }
0x6f: {  	[sflag:s28] =	ssyncadd.s32 $0xFFFFF800  }
0x70: {  	_ =	swait.ge [sflag:s29], $0x800  }
0x71: {  	[sflag:s29] =	ssyncset.done $0x0  }
0x72: {  	[sflag:s29] =	ssyncadd.s32 $0xFFFFF800  }
0x73: {  	_ =	swait.ge [sflag:s30], $0x800  }
0x74: {  	[sflag:s30] =	ssyncset.done $0x0  }
0x75: {  	[sflag:s30] =	ssyncadd.s32 $0xFFFFF800  }
0x76: {  	_ =	swait.ge [sflag:s31], $0x800  }
0x77: {  	[sflag:s31] =	ssyncset.done $0x0  }
0x78: {  	[sflag:s31] =	ssyncadd.s32 $0xFFFFF800  }
0x79: {  	_ =	swait.ge [sflag:s1], $0x800  }
0x7a: {  	[sflag:s1] =	ssyncset.done $0x0  }
0x7b: {  	[sflag:s1] =	ssyncadd.s32 $0xFFFFF800  }
0x7c: {  	_ =	swait.ge [sflag:s2], $0x800  }
0x7d: {  	s0 =	sadd.s32 $0x1, s0;
	[sflag:s2] =	ssyncset.done $0x0  }
0x7e: {  	p0 =	sne.s32 s0, s16;
	[sflag:s2] =	ssyncadd.s32 $0xFFFFF800  }
.Ltmp2:
0x7f: {  	[bflag:$0x0] =	sbarrier.arrive $0xFFFF;
	(pc) =	sbr.rel @p0 .LBB2_1-.Ltmp2, $4  }
0x80: {  	[hbm:s15], [sflag:s18] =	dma.local [spmem:s19], $0x500  }
0x81: {  	_ =	swait.ge [sflag:s17], $0x500  }
0x82: {  	[sflag:s17] =	ssyncset.done $0x0  }
0x83: {  	[sflag:s17] =	ssyncadd.s32 $0xFFFFFB00  }
0x84: {  	_ =	sfence.sel $0x180000  }
0x85: {  	[bflag:$0x0] =	sbarrier.arrive $0xFFFF  }
0x86: {  	_ =	strace $0x9000004D  }
0x87: {  	s0 =	stileid.u32;
	[bflag:$0x2] =	sbarrier.arrive $0xFFFF  }
0x88: {  	p0 =	sne.s32 s0, $0x0;
	s0 =	rddreg [dreg:$0x3]  }
0x89: {  	s0 =	sadd.s32 @!p0 $0x100000, s0  }
0x8a: {  	[sflag:s0] =	ssyncadd.tile.s32 @!p0 $0x1;
	_ =	shalt  }
.Lfunc_end2:
_tile_overlayer_lowered:
.L_overlay_start_2:
0x8b: {  	(tag) =	ssettag $0x2  }
0x8c: {  	s0 =	rddreg [dreg:$0x0];
	s2 =	stileid.u32  }
0x8d: {  	s1 =	rddreg [dreg:$0x1];
	p0 =	sne.s32 s2, $0x0  }
0x8e: {  	s3 =	rddreg [dreg:$0x2];
	[bflag:$0x3] =	sbarrier.arrive $0xFFFF;
	s2 =	simm.s32 @!p0 $0x1C11  }
0x8f: {  	[timem:s3], [sflag:s2] =	dma.local @!p0 [hbm:s0], s1  }
0x90: {  	s0 =	simm.s32 @!p0 $0x11  }
0x91: {  	_ =	swait.ge @!p0 [sflag:s0], s1  }
0x92: {  	s1 =	ssub.s32 @!p0 $0x0, s1;
	[sflag:s0] =	ssyncset.done @!p0 $0x0  }
0x93: {  	[sflag:s0] =	ssyncadd.s32 @!p0 s1  }
0x94: {  	[bflag:$0x3] =	sbarrier.arrive $0xFFFF  }
0x95: {  	_ =	shalt  }

// kernel: kernel.8.cloned.1.call-start
scs
__scs_entry_jumppad:
0x0: {  	(pc) =	sbr.rel $0x88, $3  }
0x1: {  	(tag) =	ssettag $0x0;
	lr =	simm.s32 $0x1  }
0x2: {  	[smem:$0x3F9B] =	sst lr;
	_ =	strace $0xD0000000  }
0x3: {  	_ = 	snop  }
0x4: {  	_ = 	snop  }
0x5: {  	_ = 	snop  }
0x6: {  	_ = 	snop  }
0x7: {  	_ = 	snop  }
__scs_overlays_trampoline_lowered:
0x8: {  	[smem:$0x3FAA] =	sst s0  }
0x9: {  	[smem:$0x3FAB] =	sst s1  }
0xa: {  	[smem:$0x3FAC] =	sst s2  }
0xb: {  	[smem:$0x3FAD] =	sst s3  }
0xc: {  	[smem:$0x3FAE] =	sst s4  }
0xd: {  	[smem:$0x3FAF] =	sst s5  }
0xe: {  	[smem:$0x3FB0] =	sst s6  }
0xf: {  	[smem:$0x3FB1] =	sst s7  }
0x10: {  	[smem:$0x3FB2] =	sst s8  }
0x11: {  	[smem:$0x3FB3] =	sst s9;
	s0 =	simm.s32 @!p0 $0x0  }
0x12: {  	s1 =	sld [smem:$0x3F99];
	s0 =	simm.s32 @p0 $0x1  }
0x13: {  	[smem:$0x3FB4] =	sst s0;
	s0 =	simm.s32 @!p1 $0x0  }
0x14: {  	s2 =	sld [smem:$0x3F98];
	s0 =	simm.s32 @p1 $0x1  }
0x15: {  	[smem:$0x3FB5] =	sst s0;
	s0 =	simm.s32 @!p2 $0x0  }
0x16: {  	s3 =	sld [smem:$0x3FDB];
	s0 =	simm.s32 @p2 $0x1  }
0x17: {  	s4 =	simm.s32 $0x1BF5;
	[smem:$0x3FB7] =	sst s0  }
0x18: {  	s0 =	sld [smem:$0x3F9A];
	_ =	swait.ge [sflag:s4], $0x0  }
0x19: {  	s7 =	sld [smem:$0x3F9B]  }
0x1a: {  	s8 =	sadd.s32 $0xFFFFE003, lr  }
0x1b: {  	s9 =	sadd.s32 $0xFFFFFEF7, lr;
	s5 =	simm.s32 $0xFFFFFFFF;
	p2 =	slt.u32 s8, $0xFFFFF086  }
0x1c: {  	p1 =	slt.u32 s9, $0xF7A;
	s5 =	simm.s32 @!p2 $0x0  }
0x1d: {  	s5 =	simm.s32 @p1 $0x1;
	p0 =	seq.s32 s7, s2  }
0x1e: {  	s7 =	smul.u32 @!p0 $0xF7A, s2;
	p2 =	seq.s32 @!p0 s5, $0x0  }
0x1f: {  	s9 =	smul.u32 $0xF7A, s1;
	s8 =	simm.s32 @!p0 $0x1BF5;
	p2 =	por !p2, p0  }
0x20: {  	[sflag:s8] =	ssyncset.s32 @!p0 $0xFFFFF086;
	s6 =	sadd.s32 @!p0 s3, s7;
	s7 =	simm.s32 @!p0 $0x108  }
0x21: {  	s3 =	sadd.s32 s3, s9;
	s6 =	sadd.s32 @!p0 $0x88, s6;
	s7 =	simm.s32 @p2 $0x1082  }
0x22: {  	[simem:s7], [sflag:s8] =	dma.local @!p0 [hbm:s6], $0xF7A  }
0x23: {  	s9 =	sor.u32 $0xD0000000, s2;
	s6 =	simm.s32 $0x108;
	_ =	swait.ge @!p0 [sflag:s8], $0x0  }
0x24: {  	s3 =	sadd.s32 $0x88, s3;
	s6 =	simm.s32 @!p1 $0x1082;
	[sflag:s4] =	ssyncset.s32 $0xFFFFF086  }
0x25: {  	[simem:s6], [sflag:s4] =	dma.local [hbm:s3], $0xF7A  }
0x26: {  	[smem:$0x3F9B] =	sst s1;
	(tag) =	ssettag s2;
	_ =	strace s9  }
0x27: {  	s1 =	sld [smem:$0x3FAB]  }
0x28: {  	s2 =	sld [smem:$0x3FAC]  }
0x29: {  	s4 =	sld [smem:$0x3FAE]  }
0x2a: {  	p0 =	seq.s32 s5, $0x0;
	s5 =	sld [smem:$0x3FAF]  }
0x2b: {  	s6 =	sld [smem:$0x3FB0]  }
0x2c: {  	s7 =	sld [smem:$0x3FB1]  }
0x2d: {  	s3 =	simm.s32 $0x108;
	s8 =	sld [smem:$0x3FB2]  }
0x2e: {  	s3 =	simm.s32 @!p0 $0x1082;
	s9 =	sld [smem:$0x3FB3]  }
0x2f: {  	lr =	sadd.s32 s0, s3;
	s0 =	sld [smem:$0x3FAA]  }
0x30: {  	s3 =	sld [smem:$0x3FAD]  }
0x31: {  	[smem:$0x3FB6] =	sst s10  }
0x32: {  	s10 =	sld [smem:$0x3FB4];
	_ =	sdelay $0x3  }
0x33: {  	p0 =	seq.s32 s10, $0x1;
	s10 =	sld [smem:$0x3FB6];
	_ =	sdelay $0x3  }
0x34: {  	[smem:$0x3FB6] =	sst s10  }
0x35: {  	s10 =	sld [smem:$0x3FB5];
	_ =	sdelay $0x3  }
0x36: {  	p1 =	seq.s32 s10, $0x1;
	s10 =	sld [smem:$0x3FB6];
	_ =	sdelay $0x3  }
0x37: {  	[smem:$0x3FB6] =	sst s10  }
0x38: {  	s10 =	sld [smem:$0x3FB7]  }
0x39: {  	_ = 	snop;
	(pc) =	sbr.ind lr, $3  }
0x3a: {  	_ = 	snop  }
0x3b: {  	_ = 	snop  }
0x3c: {  	p2 =	seq.s32 s10, $0x1;
	s10 =	sld [smem:$0x3FB6]  }
0x3d: {  	_ =	shalt  }
0x3e: {  	_ =	shalt  }
0x3f: {  	_ =	shalt  }
0x40: {  	_ =	shalt  }
0x41: {  	_ =	shalt  }
0x42: {  	_ =	shalt  }
0x43: {  	_ =	shalt  }
0x44: {  	_ =	shalt  }
0x45: {  	_ =	shalt  }
0x46: {  	_ =	shalt  }
0x47: {  	_ =	shalt  }
0x48: {  	_ =	shalt  }
0x49: {  	_ =	shalt  }
0x4a: {  	_ =	shalt  }
0x4b: {  	_ =	shalt  }
0x4c: {  	_ =	shalt  }
0x4d: {  	_ =	shalt  }
0x4e: {  	_ =	shalt  }
0x4f: {  	_ =	shalt  }
0x50: {  	_ =	shalt  }
0x51: {  	_ =	shalt  }
0x52: {  	_ =	shalt  }
0x53: {  	_ =	shalt  }
0x54: {  	_ =	shalt  }
0x55: {  	_ =	shalt  }
0x56: {  	_ =	shalt  }
0x57: {  	_ =	shalt  }
0x58: {  	_ =	shalt  }
0x59: {  	_ =	shalt  }
0x5a: {  	_ =	shalt  }
0x5b: {  	_ =	shalt  }
0x5c: {  	_ =	shalt  }
0x5d: {  	_ =	shalt  }
0x5e: {  	_ =	shalt  }
0x5f: {  	_ =	shalt  }
0x60: {  	_ =	shalt  }
0x61: {  	_ =	shalt  }
0x62: {  	_ =	shalt  }
0x63: {  	_ =	shalt  }
0x64: {  	_ =	shalt  }
0x65: {  	_ =	shalt  }
0x66: {  	_ =	shalt  }
0x67: {  	_ =	shalt  }
0x68: {  	_ =	shalt  }
0x69: {  	_ =	shalt  }
0x6a: {  	_ =	shalt  }
0x6b: {  	_ =	shalt  }
0x6c: {  	_ =	shalt  }
0x6d: {  	_ =	shalt  }
0x6e: {  	_ =	shalt  }
0x6f: {  	_ =	shalt  }
0x70: {  	_ =	shalt  }
0x71: {  	_ =	shalt  }
0x72: {  	_ =	shalt  }
0x73: {  	_ =	shalt  }
0x74: {  	_ =	shalt  }
0x75: {  	_ =	shalt  }
0x76: {  	_ =	shalt  }
0x77: {  	_ =	shalt  }
0x78: {  	_ =	shalt  }
0x79: {  	_ =	shalt  }
0x7a: {  	_ =	shalt  }
0x7b: {  	_ =	shalt  }
0x7c: {  	_ =	shalt  }
0x7d: {  	_ =	shalt  }
0x7e: {  	_ =	shalt  }
0x7f: {  	_ =	shalt  }
0x80: {  	_ =	shalt  }
0x81: {  	_ =	shalt  }
0x82: {  	_ =	shalt  }
0x83: {  	_ =	shalt  }
0x84: {  	_ =	shalt  }
0x85: {  	_ =	shalt  }
0x86: {  	_ =	shalt  }
0x87: {  	_ =	shalt  }
.Lfunc_end0:
.L_simem_size_0:
called_computation_lowered:
.L_overlay_start_0:
0x88: {  	s2 =	sld [smem:$0x3FD9]  }
0x89: {  	s3 =	sld [smem:$0x3FFE];
	_ =	sdelay $0x1  }
0x8a: {  	s1 =	srdreg.scid  }
0x8b: {  	s0 =	sand.u32 $0x1, s1  }
0x8c: {  	s17 =	sshll.u32 s0, $0xA;
	s2 =	sadd.s32 s3, s2  }
0x8d: {  	s2 =	sadd.s32 s2, s17  }
0x8e: {  	[smem:$0x3FC2] =	sst s2  }
0x8f: {  	_ = 	snop  }
0x90: {  	s2 =	sld [smem:$0x3FD0];
	(tm) =	ssettm $0x1  }
0x91: {  	s18 =	sld [smem:$0x3FFB];
	_ =	sdelay $0x3  }
0x92: {  	_ =	strace s18  }
0x93: {  	s3 =	sld [smem:$0x3FFC];
	_ =	sdelay $0x3  }
0x94: {  	_ =	strace s3  }
0x95: {  	s3 =	sld [smem:$0x3FFD];
	_ =	sdelay $0x3  }
0x96: {  	_ =	strace s3  }
0x97: {  	_ =	strace $0x8FFFFFFF  }
0x98: {  	s19 =	sld [smem:$0x3FDB];
	_ =	sdelay $0x1  }
0x99: {  	s4 =	simm.s32 $_scs_section_size  }
0x9a: {  	s5 =	simm.s32 $_size__tile_overlayer_lowered;
	s6 =	simm.s32 $_tile_overlayer_lowered  }
0x9b: {  	s22 =	simm.s32 $0x1BFF;
	s21 =	sshll.u32 s6, $0x1;
	s3 =	sadd.s32 s4, s19  }
0x9c: {  	s7 =	simm.s32 $0x0;
	s20 =	sshll.u32 s5, $0x1;
	s5 =	sadd.s32 s21, s3  }
0x9d: {  	[timem:s7], [sflag:s22] =	dma.local [hbm:s5], s20  }
0x9e: {  	_ =	swait.ge [sflag:s22], s20  }
0x9f: {  	s4 =	ssub.s32 $0x0, s20;
	[sflag:s22] =	ssyncset.done $0x0  }
0xa0: {  	[sflag:s22] =	ssyncadd.s32 s4;
	_ =	sdelay $0x1  }
0xa1: {  	s23 =	simm.s32 $0x1B8B  }
0xa2: {  	_ =	swait.ge [sflag:s23], $0x1  }
0xa3: {  	[sflag:s23] =	ssyncset.done $0x0  }
0xa4: {  	s25 =	simm.s32 $0x1B8E;
	s24 =	sld [smem:$0x3FFE];
	[sflag:s23] =	ssyncadd.s32 $0xFFFFFFFF  }
0xa5: {  	s26 =	simm.s32 $execute0_lowered;
	[smem:$0x3FD2] =	sst s25  }
0xa6: {  	s5 =	sshll.u32 s26, $0x1;
	_ =	strace $0x80000046;
	[dreg:$0x1] =	wrdreg $0xFFFFFFFF  }
0xa7: {  	s28 =	simm.s32 $_size_execute0_lowered;
	s3 =	sadd.s32 s3, s5;
	[dreg:$0x0] =	wrdreg $0x0  }
0xa8: {  	s5 =	sshll.u32 s28, $0x1;
	[dreg:$0x2] =	wrdreg s3  }
0xa9: {  	[dreg:$0x3] =	wrdreg s5  }
0xaa: {  	[dreg:$0x4] =	wrdreg $0xC0  }
0xab: {  	_ =	task [dreg:s7], $0x5FFFF  }
0xac: {  	[dreg:$0x1] =	wrdreg $0xFFFFFFFF  }
0xad: {  	[dreg:$0x0] =	wrdreg $0x60  }
0xae: {  	[dreg:$0x2] =	wrdreg s24  }
0xaf: {  	[dreg:$0x3] =	wrdreg s2  }
0xb0: {  	[dreg:$0x4] =	wrdreg $0x2B000  }
0xb1: {  	[dreg:$0x5] =	wrdreg $0x9  }
0xb2: {  	_ =	task.clear_ibuf [dreg:s7], $0x6FFFF;
	_ =	strace $0x90000046  }
0xb3: {  	s29 =	simm.s32 $0x9;
	_ =	strace $0x80000048  }
0xb4: {  	_ =	swait.ge [sflag:s29], $0x1  }
0xb5: {  	[sflag:s29] =	ssyncadd.s32 $0xFFFFFFFF  }
0xb6: {  	_ =	strace $0x90000048  }
0xb7: {  	_ =	sfence  }
0xb8: {  	s30 =	sld [smem:$0x0];
	_ =	sdelay $0x2  }
0xb9: {  	s31 =	sshll.u32 s1, $0xD;
	s1 =	sshrl.u32 s1, $0x2  }
0xba: {  	s3 =	sand.u32 $0x4000, s31;
	s1 =	sadd.s32 s1, s30  }
0xbb: {  	s0 =	sor.u32 s3, s0;
	s1 =	sshll.u32 s1, $0x11  }
0xbc: {  	s0 =	sor.u32 s1, s0  }
0xbd: {  	s0 =	sadd.s32 $0x8F2B, s0  }
0xbe: {  	[sflag:s0] =	ssyncadd.remote.s32 $0x1  }
0xbf: {  	_ =	sfence.sel $0xFFFF  }
0xc0: {  	[dreg:$0x0] =	wrdreg $0xFFFFFFFF;
	(pc) =	sbr.abs _section_cstart, $3  }
0xc1: {  	[dreg:$0x1] =	wrdreg $0xFFFFFFFF  }
0xc2: {  	_ =	task.clear_ibuf [dreg:s7], $0x2FFFF;
	_ =	strace $0x9FFFFFFF  }
0xc3: {  	(tm) =	ssettm $0x7FFFFFFF  }
tec
execute0_lowered:
.L_overlay_start_1:
0x0: {  	(tag) =	ssettag $0x1  }
0x1: {  	s4 =	rddreg [dreg:$0x0]  }
0x2: {  	s1 =	srdreg.scid;
	s6 =	rddreg [dreg:$0x1]  }
0x3: {  	s0 =	stileid.u32;
	s2 =	rddreg [dreg:$0x2]  }
0x4: {  	s3 =	simm.s32 $0x0;
	s11 =	simm.s32 $0x2800;
	s12 =	simm.s32 $0x1  }
0x5: {  	s13 =	simm.s32 $0x2;
	s14 =	simm.s32 $0x3;
	s15 =	simm.s32 $0x4  }
0x6: {  	s16 =	simm.s32 $0x5;
	s17 =	simm.s32 $0x6;
	s18 =	simm.s32 $0x7  }
0x7: {  	s19 =	simm.s32 $0x8;
	s22 =	simm.s32 $0x0;
	s5 =	sand.u32 $0x1, s1  }
0x8: {  	s28 =	sshll.u32 s0, $0x1;
	s8 =	smul.u32 $0x280, s0;
	s20 =	sshll.u32 s0, $0x6  }
0x9: {  	s1 =	sor.u32 s5, s28;
	s9 =	ssub.s32 $0x2, s5;
	s5 =	smul.u32 $0x2800, s5  }
0xa: {  	[smem:$0x7FF] =	sst s3;
	s20 =	sor.u32 $0x1C09, s20;
	s7 =	smul.u32 $0x500, s1  }
0xb: {  	s1 =	rddreg [dreg:$0x3];
	_ =	strace $0x80000047;
	s10 =	sshrl.u32 s9, $0x1  }
0xc: {  	s29 =	ssub.s32 s9, s10;
	s30 =	sadd.s32 s8, s5;
	s5 =	sadd.s32 s8, s2  }
0xd: {  	s8 =	simm.s32 $0x9;
	s9 =	simm.s32 $0x2880;
	s10 =	simm.s32 $0x80  }
0xe: {  	s4 =	sadd.s32 s7, s4;
	s31 =	sshrl.u32 s30, $0x3;
	s7 =	smax.u32 s29, $0x1  }
0xf: {  	v0 =	vimm.f32 $1.000000000e+00;
	v1 =	vimm.f32 $0.0e+00;
	s21 =	sshrl.u32 s5, $0x3;
	s4 =	sadd.s32 $0xBC00, s4;
	s6 =	sadd.s32 s6, s31  }
.LBB2_1:
0x10: {  	[tilespmem:s3], [sflag:$0x9] =	stream.linear.gather [hbm4b:s4+s3], $0x2800, $0x38;
	[tilespmem:$0x2D80] =	vst v63  }
0x11: {  	_ =	swait.ge [sflag:s8], $0x2800  }
0x12: {  	[sflag:s8] =	ssyncset.done $0x0  }
0x13: {  	[sflag:s8] =	ssyncadd.s32 $0xFFFFD800  }
0x14: {  	[tilespmem:$0x2800] =	vst v0  }
0x15: {  	[tilespmem:$0x2810] =	vst v0  }
0x16: {  	[tilespmem:$0x2820] =	vst v0  }
0x17: {  	[tilespmem:$0x2830] =	vst v0  }
0x18: {  	[tilespmem:$0x2840] =	vst v0  }
0x19: {  	[tilespmem:$0x2850] =	vst v0  }
0x1a: {  	[tilespmem:$0x2860] =	vst v0  }
0x1b: {  	[tilespmem:$0x2870] =	vst v0  }
0x1c: {  	[tilespmem:$0x2880] =	vst v1  }
0x1d: {  	[tilespmem:$0x2890] =	vst v1  }
0x1e: {  	[tilespmem:$0x28A0] =	vst v1  }
0x1f: {  	[tilespmem:$0x28B0] =	vst v1  }
0x20: {  	[tilespmem:$0x28C0] =	vst v1  }
0x21: {  	[tilespmem:$0x28D0] =	vst v1  }
0x22: {  	[tilespmem:$0x28E0] =	vst v1  }
0x23: {  	[tilespmem:$0x28F0] =	vst v1  }
0x24: {  	[tilespmem:$0x2900] =	vst v1  }
0x25: {  	[tilespmem:$0x2910] =	vst v1  }
0x26: {  	[tilespmem:$0x2920] =	vst v1  }
0x27: {  	[tilespmem:$0x2930] =	vst v1  }
0x28: {  	[tilespmem:$0x2940] =	vst v1  }
0x29: {  	[tilespmem:$0x2950] =	vst v1  }
0x2a: {  	[tilespmem:$0x2960] =	vst v1  }
0x2b: {  	[tilespmem:$0x2970] =	vst v1  }
0x2c: {  	[tilespmem:$0x2980] =	vst v1  }
0x2d: {  	[tilespmem:$0x2990] =	vst v1  }
0x2e: {  	[tilespmem:$0x29A0] =	vst v1  }
0x2f: {  	[tilespmem:$0x29B0] =	vst v1  }
0x30: {  	[tilespmem:$0x29C0] =	vst v1  }
0x31: {  	[tilespmem:$0x29D0] =	vst v1  }
0x32: {  	[tilespmem:$0x29E0] =	vst v1  }
0x33: {  	[tilespmem:$0x29F0] =	vst v1  }
0x34: {  	[tilespmem:$0x2A00] =	vst v1  }
0x35: {  	[tilespmem:$0x2A10] =	vst v1  }
0x36: {  	[tilespmem:$0x2A20] =	vst v1  }
0x37: {  	[tilespmem:$0x2A30] =	vst v1  }
0x38: {  	[tilespmem:$0x2A40] =	vst v1  }
0x39: {  	[tilespmem:$0x2A50] =	vst v1  }
0x3a: {  	[tilespmem:$0x2A60] =	vst v1  }
0x3b: {  	[tilespmem:$0x2A70] =	vst v1  }
0x3c: {  	[tilespmem:$0x2A80] =	vst v1  }
0x3d: {  	[tilespmem:$0x2A90] =	vst v1  }
0x3e: {  	[tilespmem:$0x2AA0] =	vst v1  }
0x3f: {  	[tilespmem:$0x2AB0] =	vst v1  }
0x40: {  	[tilespmem:$0x2AC0] =	vst v1  }
0x41: {  	[tilespmem:$0x2AD0] =	vst v1  }
0x42: {  	[tilespmem:$0x2AE0] =	vst v1  }
0x43: {  	[tilespmem:$0x2AF0] =	vst v1  }
0x44: {  	[spmem:s5] =	stream.linear.scatter [tilespmem:s9], [sflag:$0x9], $0x280, $0x38;
	[tilespmem:$0x2D80] =	vst v63  }
0x45: {  	_ =	swait.ge [sflag:s8], $0x280  }
0x46: {  	[sflag:s8] =	ssyncset.done $0x0  }
0x47: {  	s24 =	sand.u32 $0x7, s3;
	p0 =	por $0x1, $0x1;
	[sflag:s8] =	ssyncadd.s32 $0xFFFFFD80  }
0x48: {  	s25 =	sadd.s32 @!p0 $0x1, s24;
	[bflag:$0x0] =	sbarrier.arrive $0xFFFF  }
0x49: {  	_ =	swait.ge @!p0 [sflag:s25], $0x80  }
0x4a: {  	s23 =	simm.s32 $0x1;
	s26 =	sadd.s32 $0x1, s24;
	[sflag:s25] =	ssyncset.done @!p0 $0x0  }
0x4b: {  	s24 =	simm.s32 $0x80;
	[sflag:s25] =	ssyncadd.s32 @!p0 $0xFFFFFF80;
	s25 =	simm.s32 $0x0  }
.LBB2_2:
0x4c: {  	[spmem:s2] =	stream.indirect.scatter.add.f32 [tilespmem:s11], [sflag:s26], $0x1, s25, s10, $0xb8;
	[tilespmem:$0x2D80] =	vst v63  }
0x4d: {  	s26 =	sand.u32 $0x7, s23;
	p0 =	slt.u32 s23, $0x8;
	s23 =	sadd.s32 $0x1, s23  }
0x4e: {  	p1 =	sne.s32 s23, $0x50  }
.Ltmp0:
0x4f: {  	(pc) =	sbr.rel @p1 .LBB2_2-.Ltmp0, $4  }
0x50: {  	s25 =	smov.u32 s24;
	s28 =	sadd.s32 @!p0 $0x1, s26  }
0x51: {  	_ =	swait.ge @!p0 [sflag:s28], $0x80  }
0x52: {  	[sflag:s28] =	ssyncset.done @!p0 $0x0  }
0x53: {  	s24 =	sadd.s32 $0x80, s24;
	s26 =	sadd.s32 $0x1, s26;
	[sflag:s28] =	ssyncadd.s32 @!p0 $0xFFFFFF80  }
0x54: {  	[spmem:s2] =	stream.indirect.scatter.add.f32 [tilespmem:s11], [sflag:s26], $0x1, s25, s10, $0xb8;
	[tilespmem:$0x2D80] =	vst v63  }
0x55: {  	_ =	swait.ge [sflag:s12], $0x80  }
0x56: {  	[sflag:s12] =	ssyncset.done $0x0  }
0x57: {  	[sflag:s12] =	ssyncadd.s32 $0xFFFFFF80  }
0x58: {  	_ =	swait.ge [sflag:s13], $0x80  }
0x59: {  	[sflag:s13] =	ssyncset.done $0x0  }
0x5a: {  	[sflag:s13] =	ssyncadd.s32 $0xFFFFFF80  }
0x5b: {  	_ =	swait.ge [sflag:s14], $0x80  }
0x5c: {  	[sflag:s14] =	ssyncset.done $0x0  }
0x5d: {  	[sflag:s14] =	ssyncadd.s32 $0xFFFFFF80  }
0x5e: {  	_ =	swait.ge [sflag:s15], $0x80  }
0x5f: {  	[sflag:s15] =	ssyncset.done $0x0  }
0x60: {  	[sflag:s15] =	ssyncadd.s32 $0xFFFFFF80  }
0x61: {  	_ =	swait.ge [sflag:s16], $0x80  }
0x62: {  	[sflag:s16] =	ssyncset.done $0x0  }
0x63: {  	[sflag:s16] =	ssyncadd.s32 $0xFFFFFF80  }
0x64: {  	_ =	swait.ge [sflag:s17], $0x80  }
0x65: {  	[sflag:s17] =	ssyncset.done $0x0  }
0x66: {  	[sflag:s17] =	ssyncadd.s32 $0xFFFFFF80  }
0x67: {  	_ =	swait.ge [sflag:s18], $0x80  }
0x68: {  	[sflag:s18] =	ssyncset.done $0x0  }
0x69: {  	[sflag:s18] =	ssyncadd.s32 $0xFFFFFF80  }
0x6a: {  	_ =	swait.ge [sflag:s19], $0x80  }
0x6b: {  	s22 =	sadd.s32 $0x1, s22;
	[sflag:s19] =	ssyncset.done $0x0  }
0x6c: {  	p0 =	sne.s32 s22, s7;
	[sflag:s19] =	ssyncadd.s32 $0xFFFFFF80  }
.Ltmp1:
0x6d: {  	[bflag:$0x0] =	sbarrier.arrive $0xFFFF;
	(pc) =	sbr.rel @p0 .LBB2_1-.Ltmp1, $4  }
0x6e: {  	[hbm:s6], [sflag:s20] =	dma.local [spmem:s21], $0x50  }
0x6f: {  	_ =	swait.ge [sflag:s8], $0x50  }
0x70: {  	[sflag:s8] =	ssyncset.done $0x0  }
0x71: {  	[sflag:s8] =	ssyncadd.s32 $0xFFFFFFB0  }
0x72: {  	_ =	sfence.sel $0x180000  }
0x73: {  	[bflag:$0x0] =	sbarrier.arrive $0xFFFF  }
0x74: {  	p0 =	sne.s32 s0, $0x0;
	_ =	strace $0x90000047  }
0x75: {  	s0 =	sadd.s32 @!p0 $0x100000, s1;
	[bflag:$0x2] =	sbarrier.arrive $0xFFFF  }
0x76: {  	[sflag:s0] =	ssyncadd.tile.s32 @!p0 $0x1;
	_ =	shalt  }
.Lfunc_end2:
_tile_overlayer_lowered:
.L_overlay_start_2:
0x77: {  	(tag) =	ssettag $0x2  }
0x78: {  	s0 =	rddreg [dreg:$0x0];
	s2 =	stileid.u32  }
0x79: {  	s1 =	rddreg [dreg:$0x1];
	p0 =	sne.s32 s2, $0x0  }
0x7a: {  	s3 =	rddreg [dreg:$0x2];
	[bflag:$0x3] =	sbarrier.arrive $0xFFFF;
	s2 =	simm.s32 @!p0 $0x1C09  }
0x7b: {  	[timem:s3], [sflag:s2] =	dma.local @!p0 [hbm:s0], s1  }
0x7c: {  	s0 =	simm.s32 @!p0 $0x9  }
0x7d: {  	_ =	swait.ge @!p0 [sflag:s0], s1  }
0x7e: {  	s1 =	ssub.s32 @!p0 $0x0, s1;
	[sflag:s0] =	ssyncset.done @!p0 $0x0  }
0x7f: {  	[sflag:s0] =	ssyncadd.s32 @!p0 s1  }
0x80: {  	[bflag:$0x3] =	sbarrier.arrive $0xFFFF  }
0x81: {  	_ =	shalt  }

</sc_bundles>
